<compile_context>
chip_gen: v7x
topology: tpu7x:2x2x1
jax: 0.10.2.dev20260603
libtpu: 0.0.44.dev20260713+nightly
codegen_flags: <defaults>
</compile_context>

<pallas_src>
import functools

import jax
import jax.numpy as jnp
from jax import lax
from jax.experimental import pallas as pl
from jax.experimental.pallas import tpu as pltpu
from jax.experimental.pallas import tpu_sc as plsc

_N_FIELDS = 26
_VOCAB = 100000
_D = 32
_B = 16384

_NC = 2
_NH = 4
_Q = _B // _NH


def _sc_body(
    idx_hbm, tab_hbm, out_hbm, idx_v, col_v, out_v, idx_sh,
    csem, isem, osem, psem,
):
    sid = lax.axis_index("s")
    wid = sid * _NC + lax.axis_index("c")

    def col_copy(f):
        return [pltpu.make_async_copy(tab_hbm.at[f * _D + wid], col_v, csem)]

    def idx_copy(f, fslot):
        return pltpu.make_async_copy(
            idx_hbm.at[pl.ds(f * _B, _B)], idx_sh.at[fslot], isem
        )

    def idx_pull(fslot, h, slot):
        return pltpu.make_async_copy(
            idx_sh.at[fslot, pl.ds(h * _Q, _Q)], idx_v.at[slot], psem
        )

    def out_copy(f, h, slot):
        return pltpu.make_async_copy(
            out_v.at[slot], out_hbm.at[f * _D + wid, pl.ds(h * _Q, _Q)], osem
        )

    for c in col_copy(0):
        c.start()

    @pl.when(sid == 0)
    def _():
        idx_copy(0, 0).start()
        idx_copy(0, 0).wait()

    plsc.subcore_barrier()

    @pl.when(sid == 0)
    def _():
        idx_copy(1, 1).start()

    idx_pull(0, 0, 0).start()

    def field_body(f, carry):
        fslot = f % 2

        for c in col_copy(f):
            c.wait()

        for h in range(_NH):
            slot = h % 2
            if h < _NH - 1:
                idx_pull(fslot, h + 1, 1 - slot).start()
            idx_pull(fslot, h, slot).wait()

            @pl.when(f >= 1)
            def _(f=f, h=h):
                out_copy(f, h, h).wait()

            @plsc.parallel_loop(0, _Q, step=16, unroll=16)
            def _(i, slot=slot, h=h):
                sl = pl.ds(i, 16)
                out_v[h, sl] = plsc.load_gather(col_v, [idx_v[slot, sl]])

            if h == _NH - 1:
                @pl.when(f + 1 < _N_FIELDS)
                def _(f=f):
                    for c in col_copy(f + 1):
                        c.start()

            out_copy(f, h, h).start()

        @pl.when(jnp.logical_and(sid == 0, f + 1 < _N_FIELDS))
        def _(f=f, fslot=fslot):
            idx_copy(f + 1, 1 - fslot).wait()

        plsc.subcore_barrier()

        @pl.when(jnp.logical_and(sid == 0, f + 2 < _N_FIELDS))
        def _(f=f, fslot=fslot):
            idx_copy(f + 2, fslot).start()

        @pl.when(f + 1 < _N_FIELDS)
        def _(fslot=fslot):
            idx_pull(1 - fslot, 0, 0).start()

        return carry

    lax.fori_loop(0, _N_FIELDS, field_body, 0)

    for h in range(_NH):
        out_copy(_N_FIELDS - 1, h, h).wait()


@functools.partial(jax.jit, static_argnames=())
def kernel(inputs, tables):
    idxs = inputs.reshape(_N_FIELDS * _B)
    tab_t = jnp.transpose(tables, (0, 2, 1))
    tab2 = tab_t.reshape(_N_FIELDS * _D, _VOCAB)

    mesh = plsc.VectorSubcoreMesh(core_axis_name="c", subcore_axis_name="s")
    run = pl.kernel(
        _sc_body,
        out_type=jax.ShapeDtypeStruct((_N_FIELDS * _D, _B), jnp.float32),
        mesh=mesh,
        scratch_types=[
            pltpu.VMEM((2, _Q), jnp.int32),
            pltpu.VMEM((_VOCAB,), jnp.float32),
            pltpu.VMEM((_NH, _Q), jnp.float32),
            pltpu.VMEM_SHARED((2, _B), jnp.int32),
            pltpu.SemaphoreType.DMA,
            pltpu.SemaphoreType.DMA,
            pltpu.SemaphoreType.DMA,
            pltpu.SemaphoreType.DMA,
        ],
        compiler_params=pltpu.CompilerParams(needs_layout_passes=False),
    )
    out_t = run(idxs, tab2)
    return out_t.reshape(_N_FIELDS, _D, _B).transpose(0, 2, 1)

# --- scband reference (transcript-rebuilt; emitter-appended) ---
"""Pipeline reference for scband-embeddings-encoder-21371757265408 (READ-ONLY COPY).

The authoritative reference and input builder live on the scoring server;
editing this copy changes nothing except your own understanding.
"""

import jax, jax.numpy as jnp
import numpy as np

N_FIELDS = 26
VOCAB = 100000
D = 32
B = 16384


def setup_inputs(seed: int = 0) -> dict:
    key = jax.random.key(seed)
    k1, k2 = jax.random.split(key)
    # inputs: one index tensor per field, stacked: [n_fields, batch, 1]
    inputs = jax.random.randint(k1, (N_FIELDS, B, 1), 0, VOCAB)
    # learned embedding tables, one per field: [n_fields, vocab, d]
    tables = jax.random.normal(k2, (N_FIELDS, VOCAB, D), dtype=jnp.float32) * 0.05
    return {"inputs": inputs, "tables": tables}


def reference(inputs, tables):
    # Faithful translation of EmbeddingsEncoder.call:
    # for each field i: embed = Embedding(q, d)(inputs[i])  -> [B, 1, d]
    #                   reshape to [B, d]
    # Returned list of per-field embeds is represented as a stacked array
    # [n_fields, B, d].
    idx = inputs[..., 0]  # [n_fields, B] (Reshape((d,)) squeezes the length-1 axis)
    embeds = jax.vmap(lambda table, i: jnp.take(table, i, axis=0))(tables, idx)
    return embeds  # [n_fields, B, d]

if __name__ == "__main__":
    import jax
    _d = setup_inputs()
    print(jax.jit(kernel)(*tuple(_d.values())))

</pallas_src>

<mosaic_0001>
#map = affine_map<(d0, d1) -> (0)>
#map1 = affine_map<(d0, d1) -> (0, 0)>
module attributes {stable_mosaic.version = 14 : i64} {
  func.func @_sc_body(%arg0: i32, %arg1: i32, %arg2: memref<425984xi32, #tpu.memory_space<hbm>>, %arg3: memref<832x100000xf32, #tpu.memory_space<hbm>>, %arg4: memref<832x16384xf32, #tpu.memory_space<hbm>>, %arg5: memref<2x4096xi32, #tpu.memory_space<vmem>>, %arg6: memref<100000xf32, #tpu.memory_space<vmem>>, %arg7: memref<4x4096xf32, #tpu.memory_space<vmem>>, %arg8: memref<2x16384xi32, #tpu.memory_space<vmem_shared>>, %arg9: memref<!tpu.dma_semaphore, #tpu.memory_space<semaphore_mem>>, %arg10: memref<!tpu.dma_semaphore, #tpu.memory_space<semaphore_mem>>, %arg11: memref<!tpu.dma_semaphore, #tpu.memory_space<semaphore_mem>>, %arg12: memref<!tpu.dma_semaphore, #tpu.memory_space<semaphore_mem>>) attributes {dimension_semantics = [#tpu.dimension_semantics<core_parallel>, #tpu.dimension_semantics<subcore_parallel>], iteration_bounds = array<i64: 2, 16>, scalar_prefetch = 0 : i64, scratch_operands = 8 : i64, tpu.core_type = #tpu.core_type<sc_vector_subcore>, window_params = [{transform_indices = #map}, {transform_indices = #map1}, {transform_indices = #map1}]} {
    %mul3A = arith.constant 2 : i32
    %mul3A_0 = arith.muli %arg1, %mul3A : i32
    %add3A = arith.addi %mul3A_0, %arg0 : i32
    %add3A_1 = arith.constant 0 : i32
    %add3A_2 = arith.addi %add3A_1, %add3A : i32
    %dma_start3A = arith.constant 0 : i32
    %dma_start3A_3 = tpu.memref_slice %arg3[%add3A_2, %dma_start3A] : memref<832x100000xf32, #tpu.memory_space<hbm>> -> memref<1x100000xf32, #tpu.memory_space<hbm>>
    %dma_start3A_4 = tpu.memref_squeeze %dma_start3A_3 : memref<1x100000xf32, #tpu.memory_space<hbm>> -> memref<100000xf32, #tpu.memory_space<hbm>>
    %dma_start3A_5 = arith.constant 0 : i32
    %dma_start3A_6 = tpu.memref_slice %arg3[%add3A_2, %dma_start3A_5] : memref<832x100000xf32, #tpu.memory_space<hbm>> -> memref<1x100000xf32, #tpu.memory_space<hbm>>
    %dma_start3A_7 = tpu.memref_squeeze %dma_start3A_6 : memref<1x100000xf32, #tpu.memory_space<hbm>> -> memref<100000xf32, #tpu.memory_space<hbm>>
    tpu.enqueue_dma source(%dma_start3A_7 : memref<100000xf32, #tpu.memory_space<hbm>>) target(%arg6 : memref<100000xf32, #tpu.memory_space<vmem>>) target_semaphore(%arg9 : memref<!tpu.dma_semaphore, #tpu.memory_space<semaphore_mem>>)
    %eq3A = arith.constant 0 : i32
    %eq3A_8 = arith.cmpi eq, %arg1, %eq3A : i32
    %convert_element_type3A = arith.extui %eq3A_8 : i1 to i32
    %cond3A = arith.constant 0 : i32
    %cond3A_9 = arith.cmpi ne, %convert_element_type3A, %cond3A : i32
    scf.if %cond3A_9 {
      %dma_start3A_93 = arith.constant 0 : i32
      %dma_start3A_94 = arith.constant 0 : i32
      %dma_start3A_95 = tpu.memref_slice %arg8[%dma_start3A_93, %dma_start3A_94] : memref<2x16384xi32, #tpu.memory_space<vmem_shared>> -> memref<1x16384xi32, #tpu.memory_space<vmem_shared>>
      %dma_start3A_96 = tpu.memref_squeeze %dma_start3A_95 : memref<1x16384xi32, #tpu.memory_space<vmem_shared>> -> memref<16384xi32, #tpu.memory_space<vmem_shared>>
      %dma_start3A_97 = arith.constant 0 : i32
      %dma_start3A_98 = tpu.memref_slice %arg2[%dma_start3A_97] : memref<425984xi32, #tpu.memory_space<hbm>> -> memref<16384xi32, #tpu.memory_space<hbm>>
      tpu.enqueue_dma source(%dma_start3A_98 : memref<16384xi32, #tpu.memory_space<hbm>>) target(%dma_start3A_96 : memref<16384xi32, #tpu.memory_space<vmem_shared>>) target_semaphore(%arg10 : memref<!tpu.dma_semaphore, #tpu.memory_space<semaphore_mem>>)
      %dma_wait3A_99 = arith.constant 0 : i32
      %dma_wait3A_100 = arith.constant 0 : i32
      %dma_wait3A_101 = tpu.memref_slice %arg8[%dma_wait3A_99, %dma_wait3A_100] : memref<2x16384xi32, #tpu.memory_space<vmem_shared>> -> memref<1x16384xi32, #tpu.memory_space<vmem_shared>>
      %dma_wait3A_102 = tpu.memref_squeeze %dma_wait3A_101 : memref<1x16384xi32, #tpu.memory_space<vmem_shared>> -> memref<16384xi32, #tpu.memory_space<vmem_shared>>
      %dma_wait3A_103 = arith.constant 0 : i32
      %dma_wait3A_104 = tpu.memref_slice %arg2[%dma_wait3A_103] : memref<425984xi32, #tpu.memory_space<hbm>> -> memref<16384xi32, #tpu.memory_space<hbm>>
      tpu.wait_dma2 semaphore(%arg10 : memref<!tpu.dma_semaphore, #tpu.memory_space<semaphore_mem>>) src(%dma_wait3A_104 : memref<16384xi32, #tpu.memory_space<hbm>>) dst(%dma_wait3A_102 : memref<16384xi32, #tpu.memory_space<vmem_shared>>)
    } else {
    }
    %barrier3A = arith.constant 0 : index
    tpu.barrier barrier_id(%barrier3A)
    %eq3A_10 = arith.constant 0 : i32
    %eq3A_11 = arith.cmpi eq, %arg1, %eq3A_10 : i32
    %convert_element_type3A_12 = arith.extui %eq3A_11 : i1 to i32
    %cond3A_13 = arith.constant 0 : i32
    %cond3A_14 = arith.cmpi ne, %convert_element_type3A_12, %cond3A_13 : i32
    scf.if %cond3A_14 {
      %dma_start3A_93 = arith.constant 1 : i32
      %dma_start3A_94 = arith.constant 0 : i32
      %dma_start3A_95 = tpu.memref_slice %arg8[%dma_start3A_93, %dma_start3A_94] : memref<2x16384xi32, #tpu.memory_space<vmem_shared>> -> memref<1x16384xi32, #tpu.memory_space<vmem_shared>>
      %dma_start3A_96 = tpu.memref_squeeze %dma_start3A_95 : memref<1x16384xi32, #tpu.memory_space<vmem_shared>> -> memref<16384xi32, #tpu.memory_space<vmem_shared>>
      %dma_start3A_97 = arith.constant 16384 : i32
      %dma_start3A_98 = tpu.memref_slice %arg2[%dma_start3A_97] : memref<425984xi32, #tpu.memory_space<hbm>> -> memref<16384xi32, #tpu.memory_space<hbm>>
      tpu.enqueue_dma source(%dma_start3A_98 : memref<16384xi32, #tpu.memory_space<hbm>>) target(%dma_start3A_96 : memref<16384xi32, #tpu.memory_space<vmem_shared>>) target_semaphore(%arg10 : memref<!tpu.dma_semaphore, #tpu.memory_space<semaphore_mem>>)
    } else {
    }
    %dma_start3A_15 = arith.constant 0 : i32
    %dma_start3A_16 = arith.constant 0 : i32
    %dma_start3A_17 = arith.constant 0 : i32
    %dma_start3A_18 = tpu.memref_slice %arg5[%dma_start3A_16, %dma_start3A_17] : memref<2x4096xi32, #tpu.memory_space<vmem>> -> memref<1x4096xi32, #tpu.memory_space<vmem>>
    %dma_start3A_19 = tpu.memref_squeeze %dma_start3A_18 : memref<1x4096xi32, #tpu.memory_space<vmem>> -> memref<4096xi32, #tpu.memory_space<vmem>>
    %dma_start3A_20 = arith.constant 0 : i32
    %dma_start3A_21 = tpu.memref_slice %arg8[%dma_start3A_15, %dma_start3A_20] : memref<2x16384xi32, #tpu.memory_space<vmem_shared>> -> memref<1x4096xi32, #tpu.memory_space<vmem_shared>>
    %dma_start3A_22 = tpu.memref_squeeze %dma_start3A_21 : memref<1x4096xi32, #tpu.memory_space<vmem_shared>> -> memref<4096xi32, #tpu.memory_space<vmem_shared>>
    %dma_start3A_23 = arith.constant 0 : i32
    %dma_start3A_24 = tpu.memref_slice %arg5[%dma_start3A_16, %dma_start3A_23] : memref<2x4096xi32, #tpu.memory_space<vmem>> -> memref<1x4096xi32, #tpu.memory_space<vmem>>
    %dma_start3A_25 = tpu.memref_squeeze %dma_start3A_24 : memref<1x4096xi32, #tpu.memory_space<vmem>> -> memref<4096xi32, #tpu.memory_space<vmem>>
    %dma_start3A_26 = arith.constant 0 : i32
    %dma_start3A_27 = tpu.memref_slice %arg8[%dma_start3A_15, %dma_start3A_26] : memref<2x16384xi32, #tpu.memory_space<vmem_shared>> -> memref<1x4096xi32, #tpu.memory_space<vmem_shared>>
    %dma_start3A_28 = tpu.memref_squeeze %dma_start3A_27 : memref<1x4096xi32, #tpu.memory_space<vmem_shared>> -> memref<4096xi32, #tpu.memory_space<vmem_shared>>
    tpu.enqueue_dma source(%dma_start3A_28 : memref<4096xi32, #tpu.memory_space<vmem_shared>>) target(%dma_start3A_25 : memref<4096xi32, #tpu.memory_space<vmem>>) target_semaphore(%arg12 : memref<!tpu.dma_semaphore, #tpu.memory_space<semaphore_mem>>)
    %scan3A = arith.constant 0 : i32
    %scan3A_29 = arith.constant 0 : i32
    %scan3A_30 = arith.constant 26 : i32
    %scan3A_31 = arith.addi %scan3A_29, %scan3A_30 : i32
    %scan3A_32 = arith.constant 1 : i32
    scf.for %scan3A_93 = %scan3A_29 to %scan3A_31 step %scan3A_32  : i32 {
      %jit3A = arith.constant 2 : i32
      %eq3A_94 = arith.constant 0 : i32
      %eq3A_95 = arith.cmpi eq, %jit3A, %eq3A_94 : i32
      %jit3A_96 = arith.constant 1 : i32
      %select_n3A = arith.select %eq3A_95, %jit3A_96, %jit3A : i32
      %rem3A = arith.remsi %scan3A_93, %select_n3A : i32
      %ne3A = arith.constant 0 : i32
      %ne3A_97 = arith.cmpi ne, %rem3A, %ne3A : i32
      %lt3A = arith.constant 0 : i32
      %lt3A_98 = arith.cmpi slt, %rem3A, %lt3A : i32
      %lt3A_99 = arith.constant 0 : i32
      %lt3A_100 = arith.cmpi slt, %select_n3A, %lt3A_99 : i32
      %ne3A_101 = arith.xori %lt3A_98, %lt3A_100 : i1
      %and3A = arith.andi %ne3A_101, %ne3A_97 : i1
      %add3A_102 = arith.addi %rem3A, %select_n3A : i32
      %select_n3A_103 = arith.select %and3A, %add3A_102, %rem3A : i32
      %mul3A_104 = arith.constant 32 : i32
      %mul3A_105 = arith.muli %scan3A_93, %mul3A_104 : i32
      %add3A_106 = arith.addi %mul3A_105, %add3A : i32
      %dma_wait3A_107 = arith.constant 0 : i32
      %dma_wait3A_108 = tpu.memref_slice %arg3[%add3A_106, %dma_wait3A_107] : memref<832x100000xf32, #tpu.memory_space<hbm>> -> memref<1x100000xf32, #tpu.memory_space<hbm>>
      %dma_wait3A_109 = tpu.memref_squeeze %dma_wait3A_108 : memref<1x100000xf32, #tpu.memory_space<hbm>> -> memref<100000xf32, #tpu.memory_space<hbm>>
      %dma_wait3A_110 = arith.constant 0 : i32
      %dma_wait3A_111 = tpu.memref_slice %arg3[%add3A_106, %dma_wait3A_110] : memref<832x100000xf32, #tpu.memory_space<hbm>> -> memref<1x100000xf32, #tpu.memory_space<hbm>>
      %dma_wait3A_112 = tpu.memref_squeeze %dma_wait3A_111 : memref<1x100000xf32, #tpu.memory_space<hbm>> -> memref<100000xf32, #tpu.memory_space<hbm>>
      tpu.wait_dma2 semaphore(%arg9 : memref<!tpu.dma_semaphore, #tpu.memory_space<semaphore_mem>>) src(%dma_wait3A_112 : memref<100000xf32, #tpu.memory_space<hbm>>) dst(%arg6 : memref<100000xf32, #tpu.memory_space<vmem>>)
      %dma_start3A_113 = arith.constant 1 : i32
      %dma_start3A_114 = arith.constant 0 : i32
      %dma_start3A_115 = tpu.memref_slice %arg5[%dma_start3A_113, %dma_start3A_114] : memref<2x4096xi32, #tpu.memory_space<vmem>> -> memref<1x4096xi32, #tpu.memory_space<vmem>>
      %dma_start3A_116 = tpu.memref_squeeze %dma_start3A_115 : memref<1x4096xi32, #tpu.memory_space<vmem>> -> memref<4096xi32, #tpu.memory_space<vmem>>
      %dma_start3A_117 = arith.constant 4096 : i32
      %dma_start3A_118 = tpu.memref_slice %arg8[%select_n3A_103, %dma_start3A_117] : memref<2x16384xi32, #tpu.memory_space<vmem_shared>> -> memref<1x4096xi32, #tpu.memory_space<vmem_shared>>
      %dma_start3A_119 = tpu.memref_squeeze %dma_start3A_118 : memref<1x4096xi32, #tpu.memory_space<vmem_shared>> -> memref<4096xi32, #tpu.memory_space<vmem_shared>>
      %dma_start3A_120 = arith.constant 0 : i32
      %dma_start3A_121 = tpu.memref_slice %arg5[%dma_start3A_113, %dma_start3A_120] : memref<2x4096xi32, #tpu.memory_space<vmem>> -> memref<1x4096xi32, #tpu.memory_space<vmem>>
      %dma_start3A_122 = tpu.memref_squeeze %dma_start3A_121 : memref<1x4096xi32, #tpu.memory_space<vmem>> -> memref<4096xi32, #tpu.memory_space<vmem>>
      %dma_start3A_123 = arith.constant 4096 : i32
      %dma_start3A_124 = tpu.memref_slice %arg8[%select_n3A_103, %dma_start3A_123] : memref<2x16384xi32, #tpu.memory_space<vmem_shared>> -> memref<1x4096xi32, #tpu.memory_space<vmem_shared>>
      %dma_start3A_125 = tpu.memref_squeeze %dma_start3A_124 : memref<1x4096xi32, #tpu.memory_space<vmem_shared>> -> memref<4096xi32, #tpu.memory_space<vmem_shared>>
      tpu.enqueue_dma source(%dma_start3A_125 : memref<4096xi32, #tpu.memory_space<vmem_shared>>) target(%dma_start3A_122 : memref<4096xi32, #tpu.memory_space<vmem>>) target_semaphore(%arg12 : memref<!tpu.dma_semaphore, #tpu.memory_space<semaphore_mem>>)
      %dma_wait3A_126 = arith.constant 0 : i32
      %dma_wait3A_127 = arith.constant 0 : i32
      %dma_wait3A_128 = tpu.memref_slice %arg5[%dma_wait3A_126, %dma_wait3A_127] : memref<2x4096xi32, #tpu.memory_space<vmem>> -> memref<1x4096xi32, #tpu.memory_space<vmem>>
      %dma_wait3A_129 = tpu.memref_squeeze %dma_wait3A_128 : memref<1x4096xi32, #tpu.memory_space<vmem>> -> memref<4096xi32, #tpu.memory_space<vmem>>
      %dma_wait3A_130 = arith.constant 0 : i32
      %dma_wait3A_131 = tpu.memref_slice %arg8[%select_n3A_103, %dma_wait3A_130] : memref<2x16384xi32, #tpu.memory_space<vmem_shared>> -> memref<1x4096xi32, #tpu.memory_space<vmem_shared>>
      %dma_wait3A_132 = tpu.memref_squeeze %dma_wait3A_131 : memref<1x4096xi32, #tpu.memory_space<vmem_shared>> -> memref<4096xi32, #tpu.memory_space<vmem_shared>>
      %dma_wait3A_133 = arith.constant 0 : i32
      %dma_wait3A_134 = tpu.memref_slice %arg5[%dma_wait3A_126, %dma_wait3A_133] : memref<2x4096xi32, #tpu.memory_space<vmem>> -> memref<1x4096xi32, #tpu.memory_space<vmem>>
      %dma_wait3A_135 = tpu.memref_squeeze %dma_wait3A_134 : memref<1x4096xi32, #tpu.memory_space<vmem>> -> memref<4096xi32, #tpu.memory_space<vmem>>
      %dma_wait3A_136 = arith.constant 0 : i32
      %dma_wait3A_137 = tpu.memref_slice %arg8[%select_n3A_103, %dma_wait3A_136] : memref<2x16384xi32, #tpu.memory_space<vmem_shared>> -> memref<1x4096xi32, #tpu.memory_space<vmem_shared>>
      %dma_wait3A_138 = tpu.memref_squeeze %dma_wait3A_137 : memref<1x4096xi32, #tpu.memory_space<vmem_shared>> -> memref<4096xi32, #tpu.memory_space<vmem_shared>>
      tpu.wait_dma2 semaphore(%arg12 : memref<!tpu.dma_semaphore, #tpu.memory_space<semaphore_mem>>) src(%dma_wait3A_138 : memref<4096xi32, #tpu.memory_space<vmem_shared>>) dst(%dma_wait3A_135 : memref<4096xi32, #tpu.memory_space<vmem>>)
      %ge3A = arith.constant 1 : i32
      %ge3A_139 = arith.cmpi sge, %scan3A_93, %ge3A : i32
      %convert_element_type3A_140 = arith.extui %ge3A_139 : i1 to i32
      %cond3A_141 = arith.constant 0 : i32
      %cond3A_142 = arith.cmpi ne, %convert_element_type3A_140, %cond3A_141 : i32
      scf.if %cond3A_142 {
        %mul3A_333 = arith.constant 32 : i32
        %mul3A_334 = arith.muli %scan3A_93, %mul3A_333 : i32
        %add3A_335 = arith.addi %mul3A_334, %add3A : i32
        %dma_wait3A_336 = arith.constant 0 : i32
        %dma_wait3A_337 = arith.constant 0 : i32
        %dma_wait3A_338 = tpu.memref_slice %arg7[%dma_wait3A_336, %dma_wait3A_337] : memref<4x4096xf32, #tpu.memory_space<vmem>> -> memref<1x4096xf32, #tpu.memory_space<vmem>>
        %dma_wait3A_339 = tpu.memref_squeeze %dma_wait3A_338 : memref<1x4096xf32, #tpu.memory_space<vmem>> -> memref<4096xf32, #tpu.memory_space<vmem>>
        %dma_wait3A_340 = arith.constant 0 : i32
        %dma_wait3A_341 = tpu.memref_slice %arg4[%add3A_335, %dma_wait3A_340] : memref<832x16384xf32, #tpu.memory_space<hbm>> -> memref<1x4096xf32, #tpu.memory_space<hbm>>
        %dma_wait3A_342 = tpu.memref_squeeze %dma_wait3A_341 : memref<1x4096xf32, #tpu.memory_space<hbm>> -> memref<4096xf32, #tpu.memory_space<hbm>>
        %dma_wait3A_343 = arith.constant 0 : i32
        %dma_wait3A_344 = tpu.memref_slice %arg4[%add3A_335, %dma_wait3A_343] : memref<832x16384xf32, #tpu.memory_space<hbm>> -> memref<1x4096xf32, #tpu.memory_space<hbm>>
        %dma_wait3A_345 = tpu.memref_squeeze %dma_wait3A_344 : memref<1x4096xf32, #tpu.memory_space<hbm>> -> memref<4096xf32, #tpu.memory_space<hbm>>
        %dma_wait3A_346 = arith.constant 0 : i32
        %dma_wait3A_347 = tpu.memref_slice %arg7[%dma_wait3A_336, %dma_wait3A_346] : memref<4x4096xf32, #tpu.memory_space<vmem>> -> memref<1x4096xf32, #tpu.memory_space<vmem>>
        %dma_wait3A_348 = tpu.memref_squeeze %dma_wait3A_347 : memref<1x4096xf32, #tpu.memory_space<vmem>> -> memref<4096xf32, #tpu.memory_space<vmem>>
        tpu.wait_dma2 semaphore(%arg11 : memref<!tpu.dma_semaphore, #tpu.memory_space<semaphore_mem>>) src(%dma_wait3A_348 : memref<4096xf32, #tpu.memory_space<vmem>>) dst(%dma_wait3A_345 : memref<4096xf32, #tpu.memory_space<hbm>>)
      } else {
      }
      %parallel_loop3A = arith.constant 0 : i32
      %parallel_loop3A_143 = arith.constant 4096 : i32
      %parallel_loop3A_144 = arith.constant 16 : i32
      scf.for %parallel_loop3A_333 = %parallel_loop3A to %parallel_loop3A_143 step %parallel_loop3A_144  : i32 {
        %parallel_loop3A_334 = arith.constant 0 : i32
        %parallel_loop3A_335 = arith.index_cast %parallel_loop3A_334 : i32 to index
        %parallel_loop3A_336 = arith.index_cast %parallel_loop3A_333 : i32 to index
        %parallel_loop3A_337 = tpu.vector_load %arg5[%parallel_loop3A_335, %parallel_loop3A_336] {strides = array<i32>} : memref<2x4096xi32, #tpu.memory_space<vmem>>, vector<16xi32>,
        %parallel_loop3A_338 = tpu.vector_load_idx %arg6[%parallel_loop3A_337] : memref<100000xf32, #tpu.memory_space<vmem>>[vector<16xi32>], vector<16xf32>,
        %parallel_loop3A_339 = arith.constant 0 : i32
        %parallel_loop3A_340 = arith.index_cast %parallel_loop3A_339 : i32 to index
        %parallel_loop3A_341 = arith.index_cast %parallel_loop3A_333 : i32 to index
        %parallel_loop3A_342 = tpu.vector_load %arg7[%parallel_loop3A_340, %parallel_loop3A_341] {strides = array<i32>} : memref<4x4096xf32, #tpu.memory_space<vmem>>, vector<16xf32>,
        tpu.vector_store %arg7[%parallel_loop3A_340, %parallel_loop3A_341], %parallel_loop3A_338 {strides = array<i32>} : memref<4x4096xf32, #tpu.memory_space<vmem>>, vector<16xf32>,
      } {sc.loop_unroll_factor = 16 : i64, sc.parallel_access}
      %mul3A_145 = arith.constant 32 : i32
      %mul3A_146 = arith.muli %scan3A_93, %mul3A_145 : i32
      %add3A_147 = arith.addi %mul3A_146, %add3A : i32
      %dma_start3A_148 = arith.constant 0 : i32
      %dma_start3A_149 = arith.constant 0 : i32
      %dma_start3A_150 = tpu.memref_slice %arg7[%dma_start3A_148, %dma_start3A_149] : memref<4x4096xf32, #tpu.memory_space<vmem>> -> memref<1x4096xf32, #tpu.memory_space<vmem>>
      %dma_start3A_151 = tpu.memref_squeeze %dma_start3A_150 : memref<1x4096xf32, #tpu.memory_space<vmem>> -> memref<4096xf32, #tpu.memory_space<vmem>>
      %dma_start3A_152 = arith.constant 0 : i32
      %dma_start3A_153 = tpu.memref_slice %arg4[%add3A_147, %dma_start3A_152] : memref<832x16384xf32, #tpu.memory_space<hbm>> -> memref<1x4096xf32, #tpu.memory_space<hbm>>
      %dma_start3A_154 = tpu.memref_squeeze %dma_start3A_153 : memref<1x4096xf32, #tpu.memory_space<hbm>> -> memref<4096xf32, #tpu.memory_space<hbm>>
      %dma_start3A_155 = arith.constant 0 : i32
      %dma_start3A_156 = tpu.memref_slice %arg4[%add3A_147, %dma_start3A_155] : memref<832x16384xf32, #tpu.memory_space<hbm>> -> memref<1x4096xf32, #tpu.memory_space<hbm>>
      %dma_start3A_157 = tpu.memref_squeeze %dma_start3A_156 : memref<1x4096xf32, #tpu.memory_space<hbm>> -> memref<4096xf32, #tpu.memory_space<hbm>>
      %dma_start3A_158 = arith.constant 0 : i32
      %dma_start3A_159 = tpu.memref_slice %arg7[%dma_start3A_148, %dma_start3A_158] : memref<4x4096xf32, #tpu.memory_space<vmem>> -> memref<1x4096xf32, #tpu.memory_space<vmem>>
      %dma_start3A_160 = tpu.memref_squeeze %dma_start3A_159 : memref<1x4096xf32, #tpu.memory_space<vmem>> -> memref<4096xf32, #tpu.memory_space<vmem>>
      tpu.enqueue_dma source(%dma_start3A_160 : memref<4096xf32, #tpu.memory_space<vmem>>) target(%dma_start3A_157 : memref<4096xf32, #tpu.memory_space<hbm>>) target_semaphore(%arg11 : memref<!tpu.dma_semaphore, #tpu.memory_space<semaphore_mem>>)
      %dma_start3A_161 = arith.constant 0 : i32
      %dma_start3A_162 = arith.constant 0 : i32
      %dma_start3A_163 = tpu.memref_slice %arg5[%dma_start3A_161, %dma_start3A_162] : memref<2x4096xi32, #tpu.memory_space<vmem>> -> memref<1x4096xi32, #tpu.memory_space<vmem>>
      %dma_start3A_164 = tpu.memref_squeeze %dma_start3A_163 : memref<1x4096xi32, #tpu.memory_space<vmem>> -> memref<4096xi32, #tpu.memory_space<vmem>>
      %dma_start3A_165 = arith.constant 8192 : i32
      %dma_start3A_166 = tpu.memref_slice %arg8[%select_n3A_103, %dma_start3A_165] : memref<2x16384xi32, #tpu.memory_space<vmem_shared>> -> memref<1x4096xi32, #tpu.memory_space<vmem_shared>>
      %dma_start3A_167 = tpu.memref_squeeze %dma_start3A_166 : memref<1x4096xi32, #tpu.memory_space<vmem_shared>> -> memref<4096xi32, #tpu.memory_space<vmem_shared>>
      %dma_start3A_168 = arith.constant 0 : i32
      %dma_start3A_169 = tpu.memref_slice %arg5[%dma_start3A_161, %dma_start3A_168] : memref<2x4096xi32, #tpu.memory_space<vmem>> -> memref<1x4096xi32, #tpu.memory_space<vmem>>
      %dma_start3A_170 = tpu.memref_squeeze %dma_start3A_169 : memref<1x4096xi32, #tpu.memory_space<vmem>> -> memref<4096xi32, #tpu.memory_space<vmem>>
      %dma_start3A_171 = arith.constant 8192 : i32
      %dma_start3A_172 = tpu.memref_slice %arg8[%select_n3A_103, %dma_start3A_171] : memref<2x16384xi32, #tpu.memory_space<vmem_shared>> -> memref<1x4096xi32, #tpu.memory_space<vmem_shared>>
      %dma_start3A_173 = tpu.memref_squeeze %dma_start3A_172 : memref<1x4096xi32, #tpu.memory_space<vmem_shared>> -> memref<4096xi32, #tpu.memory_space<vmem_shared>>
      tpu.enqueue_dma source(%dma_start3A_173 : memref<4096xi32, #tpu.memory_space<vmem_shared>>) target(%dma_start3A_170 : memref<4096xi32, #tpu.memory_space<vmem>>) target_semaphore(%arg12 : memref<!tpu.dma_semaphore, #tpu.memory_space<semaphore_mem>>)
      %dma_wait3A_174 = arith.constant 1 : i32
      %dma_wait3A_175 = arith.constant 0 : i32
      %dma_wait3A_176 = tpu.memref_slice %arg5[%dma_wait3A_174, %dma_wait3A_175] : memref<2x4096xi32, #tpu.memory_space<vmem>> -> memref<1x4096xi32, #tpu.memory_space<vmem>>
      %dma_wait3A_177 = tpu.memref_squeeze %dma_wait3A_176 : memref<1x4096xi32, #tpu.memory_space<vmem>> -> memref<4096xi32, #tpu.memory_space<vmem>>
      %dma_wait3A_178 = arith.constant 4096 : i32
      %dma_wait3A_179 = tpu.memref_slice %arg8[%select_n3A_103, %dma_wait3A_178] : memref<2x16384xi32, #tpu.memory_space<vmem_shared>> -> memref<1x4096xi32, #tpu.memory_space<vmem_shared>>
      %dma_wait3A_180 = tpu.memref_squeeze %dma_wait3A_179 : memref<1x4096xi32, #tpu.memory_space<vmem_shared>> -> memref<4096xi32, #tpu.memory_space<vmem_shared>>
      %dma_wait3A_181 = arith.constant 0 : i32
      %dma_wait3A_182 = tpu.memref_slice %arg5[%dma_wait3A_174, %dma_wait3A_181] : memref<2x4096xi32, #tpu.memory_space<vmem>> -> memref<1x4096xi32, #tpu.memory_space<vmem>>
      %dma_wait3A_183 = tpu.memref_squeeze %dma_wait3A_182 : memref<1x4096xi32, #tpu.memory_space<vmem>> -> memref<4096xi32, #tpu.memory_space<vmem>>
      %dma_wait3A_184 = arith.constant 4096 : i32
      %dma_wait3A_185 = tpu.memref_slice %arg8[%select_n3A_103, %dma_wait3A_184] : memref<2x16384xi32, #tpu.memory_space<vmem_shared>> -> memref<1x4096xi32, #tpu.memory_space<vmem_shared>>
      %dma_wait3A_186 = tpu.memref_squeeze %dma_wait3A_185 : memref<1x4096xi32, #tpu.memory_space<vmem_shared>> -> memref<4096xi32, #tpu.memory_space<vmem_shared>>
      tpu.wait_dma2 semaphore(%arg12 : memref<!tpu.dma_semaphore, #tpu.memory_space<semaphore_mem>>) src(%dma_wait3A_186 : memref<4096xi32, #tpu.memory_space<vmem_shared>>) dst(%dma_wait3A_183 : memref<4096xi32, #tpu.memory_space<vmem>>)
      %ge3A_187 = arith.constant 1 : i32
      %ge3A_188 = arith.cmpi sge, %scan3A_93, %ge3A_187 : i32
      %convert_element_type3A_189 = arith.extui %ge3A_188 : i1 to i32
      %cond3A_190 = arith.constant 0 : i32
      %cond3A_191 = arith.cmpi ne, %convert_element_type3A_189, %cond3A_190 : i32
      scf.if %cond3A_191 {
        %mul3A_333 = arith.constant 32 : i32
        %mul3A_334 = arith.muli %scan3A_93, %mul3A_333 : i32
        %add3A_335 = arith.addi %mul3A_334, %add3A : i32
        %dma_wait3A_336 = arith.constant 1 : i32
        %dma_wait3A_337 = arith.constant 0 : i32
        %dma_wait3A_338 = tpu.memref_slice %arg7[%dma_wait3A_336, %dma_wait3A_337] : memref<4x4096xf32, #tpu.memory_space<vmem>> -> memref<1x4096xf32, #tpu.memory_space<vmem>>
        %dma_wait3A_339 = tpu.memref_squeeze %dma_wait3A_338 : memref<1x4096xf32, #tpu.memory_space<vmem>> -> memref<4096xf32, #tpu.memory_space<vmem>>
        %dma_wait3A_340 = arith.constant 4096 : i32
        %dma_wait3A_341 = tpu.memref_slice %arg4[%add3A_335, %dma_wait3A_340] : memref<832x16384xf32, #tpu.memory_space<hbm>> -> memref<1x4096xf32, #tpu.memory_space<hbm>>
        %dma_wait3A_342 = tpu.memref_squeeze %dma_wait3A_341 : memref<1x4096xf32, #tpu.memory_space<hbm>> -> memref<4096xf32, #tpu.memory_space<hbm>>
        %dma_wait3A_343 = arith.constant 4096 : i32
        %dma_wait3A_344 = tpu.memref_slice %arg4[%add3A_335, %dma_wait3A_343] : memref<832x16384xf32, #tpu.memory_space<hbm>> -> memref<1x4096xf32, #tpu.memory_space<hbm>>
        %dma_wait3A_345 = tpu.memref_squeeze %dma_wait3A_344 : memref<1x4096xf32, #tpu.memory_space<hbm>> -> memref<4096xf32, #tpu.memory_space<hbm>>
        %dma_wait3A_346 = arith.constant 0 : i32
        %dma_wait3A_347 = tpu.memref_slice %arg7[%dma_wait3A_336, %dma_wait3A_346] : memref<4x4096xf32, #tpu.memory_space<vmem>> -> memref<1x4096xf32, #tpu.memory_space<vmem>>
        %dma_wait3A_348 = tpu.memref_squeeze %dma_wait3A_347 : memref<1x4096xf32, #tpu.memory_space<vmem>> -> memref<4096xf32, #tpu.memory_space<vmem>>
        tpu.wait_dma2 semaphore(%arg11 : memref<!tpu.dma_semaphore, #tpu.memory_space<semaphore_mem>>) src(%dma_wait3A_348 : memref<4096xf32, #tpu.memory_space<vmem>>) dst(%dma_wait3A_345 : memref<4096xf32, #tpu.memory_space<hbm>>)
      } else {
      }
      %parallel_loop3A_192 = arith.constant 0 : i32
      %parallel_loop3A_193 = arith.constant 4096 : i32
      %parallel_loop3A_194 = arith.constant 16 : i32
      scf.for %parallel_loop3A_333 = %parallel_loop3A_192 to %parallel_loop3A_193 step %parallel_loop3A_194  : i32 {
        %parallel_loop3A_334 = arith.constant 1 : i32
        %parallel_loop3A_335 = arith.index_cast %parallel_loop3A_334 : i32 to index
        %parallel_loop3A_336 = arith.index_cast %parallel_loop3A_333 : i32 to index
        %parallel_loop3A_337 = tpu.vector_load %arg5[%parallel_loop3A_335, %parallel_loop3A_336] {strides = array<i32>} : memref<2x4096xi32, #tpu.memory_space<vmem>>, vector<16xi32>,
        %parallel_loop3A_338 = tpu.vector_load_idx %arg6[%parallel_loop3A_337] : memref<100000xf32, #tpu.memory_space<vmem>>[vector<16xi32>], vector<16xf32>,
        %parallel_loop3A_339 = arith.constant 1 : i32
        %parallel_loop3A_340 = arith.index_cast %parallel_loop3A_339 : i32 to index
        %parallel_loop3A_341 = arith.index_cast %parallel_loop3A_333 : i32 to index
        %parallel_loop3A_342 = tpu.vector_load %arg7[%parallel_loop3A_340, %parallel_loop3A_341] {strides = array<i32>} : memref<4x4096xf32, #tpu.memory_space<vmem>>, vector<16xf32>,
        tpu.vector_store %arg7[%parallel_loop3A_340, %parallel_loop3A_341], %parallel_loop3A_338 {strides = array<i32>} : memref<4x4096xf32, #tpu.memory_space<vmem>>, vector<16xf32>,
      } {sc.loop_unroll_factor = 16 : i64, sc.parallel_access}
      %mul3A_195 = arith.constant 32 : i32
      %mul3A_196 = arith.muli %scan3A_93, %mul3A_195 : i32
      %add3A_197 = arith.addi %mul3A_196, %add3A : i32
      %dma_start3A_198 = arith.constant 1 : i32
      %dma_start3A_199 = arith.constant 0 : i32
      %dma_start3A_200 = tpu.memref_slice %arg7[%dma_start3A_198, %dma_start3A_199] : memref<4x4096xf32, #tpu.memory_space<vmem>> -> memref<1x4096xf32, #tpu.memory_space<vmem>>
      %dma_start3A_201 = tpu.memref_squeeze %dma_start3A_200 : memref<1x4096xf32, #tpu.memory_space<vmem>> -> memref<4096xf32, #tpu.memory_space<vmem>>
      %dma_start3A_202 = arith.constant 4096 : i32
      %dma_start3A_203 = tpu.memref_slice %arg4[%add3A_197, %dma_start3A_202] : memref<832x16384xf32, #tpu.memory_space<hbm>> -> memref<1x4096xf32, #tpu.memory_space<hbm>>
      %dma_start3A_204 = tpu.memref_squeeze %dma_start3A_203 : memref<1x4096xf32, #tpu.memory_space<hbm>> -> memref<4096xf32, #tpu.memory_space<hbm>>
      %dma_start3A_205 = arith.constant 4096 : i32
      %dma_start3A_206 = tpu.memref_slice %arg4[%add3A_197, %dma_start3A_205] : memref<832x16384xf32, #tpu.memory_space<hbm>> -> memref<1x4096xf32, #tpu.memory_space<hbm>>
      %dma_start3A_207 = tpu.memref_squeeze %dma_start3A_206 : memref<1x4096xf32, #tpu.memory_space<hbm>> -> memref<4096xf32, #tpu.memory_space<hbm>>
      %dma_start3A_208 = arith.constant 0 : i32
      %dma_start3A_209 = tpu.memref_slice %arg7[%dma_start3A_198, %dma_start3A_208] : memref<4x4096xf32, #tpu.memory_space<vmem>> -> memref<1x4096xf32, #tpu.memory_space<vmem>>
      %dma_start3A_210 = tpu.memref_squeeze %dma_start3A_209 : memref<1x4096xf32, #tpu.memory_space<vmem>> -> memref<4096xf32, #tpu.memory_space<vmem>>
      tpu.enqueue_dma source(%dma_start3A_210 : memref<4096xf32, #tpu.memory_space<vmem>>) target(%dma_start3A_207 : memref<4096xf32, #tpu.memory_space<hbm>>) target_semaphore(%arg11 : memref<!tpu.dma_semaphore, #tpu.memory_space<semaphore_mem>>)
      %dma_start3A_211 = arith.constant 1 : i32
      %dma_start3A_212 = arith.constant 0 : i32
      %dma_start3A_213 = tpu.memref_slice %arg5[%dma_start3A_211, %dma_start3A_212] : memref<2x4096xi32, #tpu.memory_space<vmem>> -> memref<1x4096xi32, #tpu.memory_space<vmem>>
      %dma_start3A_214 = tpu.memref_squeeze %dma_start3A_213 : memref<1x4096xi32, #tpu.memory_space<vmem>> -> memref<4096xi32, #tpu.memory_space<vmem>>
      %dma_start3A_215 = arith.constant 12288 : i32
      %dma_start3A_216 = tpu.memref_slice %arg8[%select_n3A_103, %dma_start3A_215] : memref<2x16384xi32, #tpu.memory_space<vmem_shared>> -> memref<1x4096xi32, #tpu.memory_space<vmem_shared>>
      %dma_start3A_217 = tpu.memref_squeeze %dma_start3A_216 : memref<1x4096xi32, #tpu.memory_space<vmem_shared>> -> memref<4096xi32, #tpu.memory_space<vmem_shared>>
      %dma_start3A_218 = arith.constant 0 : i32
      %dma_start3A_219 = tpu.memref_slice %arg5[%dma_start3A_211, %dma_start3A_218] : memref<2x4096xi32, #tpu.memory_space<vmem>> -> memref<1x4096xi32, #tpu.memory_space<vmem>>
      %dma_start3A_220 = tpu.memref_squeeze %dma_start3A_219 : memref<1x4096xi32, #tpu.memory_space<vmem>> -> memref<4096xi32, #tpu.memory_space<vmem>>
      %dma_start3A_221 = arith.constant 12288 : i32
      %dma_start3A_222 = tpu.memref_slice %arg8[%select_n3A_103, %dma_start3A_221] : memref<2x16384xi32, #tpu.memory_space<vmem_shared>> -> memref<1x4096xi32, #tpu.memory_space<vmem_shared>>
      %dma_start3A_223 = tpu.memref_squeeze %dma_start3A_222 : memref<1x4096xi32, #tpu.memory_space<vmem_shared>> -> memref<4096xi32, #tpu.memory_space<vmem_shared>>
      tpu.enqueue_dma source(%dma_start3A_223 : memref<4096xi32, #tpu.memory_space<vmem_shared>>) target(%dma_start3A_220 : memref<4096xi32, #tpu.memory_space<vmem>>) target_semaphore(%arg12 : memref<!tpu.dma_semaphore, #tpu.memory_space<semaphore_mem>>)
      %dma_wait3A_224 = arith.constant 0 : i32
      %dma_wait3A_225 = arith.constant 0 : i32
      %dma_wait3A_226 = tpu.memref_slice %arg5[%dma_wait3A_224, %dma_wait3A_225] : memref<2x4096xi32, #tpu.memory_space<vmem>> -> memref<1x4096xi32, #tpu.memory_space<vmem>>
      %dma_wait3A_227 = tpu.memref_squeeze %dma_wait3A_226 : memref<1x4096xi32, #tpu.memory_space<vmem>> -> memref<4096xi32, #tpu.memory_space<vmem>>
      %dma_wait3A_228 = arith.constant 8192 : i32
      %dma_wait3A_229 = tpu.memref_slice %arg8[%select_n3A_103, %dma_wait3A_228] : memref<2x16384xi32, #tpu.memory_space<vmem_shared>> -> memref<1x4096xi32, #tpu.memory_space<vmem_shared>>
      %dma_wait3A_230 = tpu.memref_squeeze %dma_wait3A_229 : memref<1x4096xi32, #tpu.memory_space<vmem_shared>> -> memref<4096xi32, #tpu.memory_space<vmem_shared>>
      %dma_wait3A_231 = arith.constant 0 : i32
      %dma_wait3A_232 = tpu.memref_slice %arg5[%dma_wait3A_224, %dma_wait3A_231] : memref<2x4096xi32, #tpu.memory_space<vmem>> -> memref<1x4096xi32, #tpu.memory_space<vmem>>
      %dma_wait3A_233 = tpu.memref_squeeze %dma_wait3A_232 : memref<1x4096xi32, #tpu.memory_space<vmem>> -> memref<4096xi32, #tpu.memory_space<vmem>>
      %dma_wait3A_234 = arith.constant 8192 : i32
      %dma_wait3A_235 = tpu.memref_slice %arg8[%select_n3A_103, %dma_wait3A_234] : memref<2x16384xi32, #tpu.memory_space<vmem_shared>> -> memref<1x4096xi32, #tpu.memory_space<vmem_shared>>
      %dma_wait3A_236 = tpu.memref_squeeze %dma_wait3A_235 : memref<1x4096xi32, #tpu.memory_space<vmem_shared>> -> memref<4096xi32, #tpu.memory_space<vmem_shared>>
      tpu.wait_dma2 semaphore(%arg12 : memref<!tpu.dma_semaphore, #tpu.memory_space<semaphore_mem>>) src(%dma_wait3A_236 : memref<4096xi32, #tpu.memory_space<vmem_shared>>) dst(%dma_wait3A_233 : memref<4096xi32, #tpu.memory_space<vmem>>)
      %ge3A_237 = arith.constant 1 : i32
      %ge3A_238 = arith.cmpi sge, %scan3A_93, %ge3A_237 : i32
      %convert_element_type3A_239 = arith.extui %ge3A_238 : i1 to i32
      %cond3A_240 = arith.constant 0 : i32
      %cond3A_241 = arith.cmpi ne, %convert_element_type3A_239, %cond3A_240 : i32
      scf.if %cond3A_241 {
        %mul3A_333 = arith.constant 32 : i32
        %mul3A_334 = arith.muli %scan3A_93, %mul3A_333 : i32
        %add3A_335 = arith.addi %mul3A_334, %add3A : i32
        %dma_wait3A_336 = arith.constant 2 : i32
        %dma_wait3A_337 = arith.constant 0 : i32
        %dma_wait3A_338 = tpu.memref_slice %arg7[%dma_wait3A_336, %dma_wait3A_337] : memref<4x4096xf32, #tpu.memory_space<vmem>> -> memref<1x4096xf32, #tpu.memory_space<vmem>>
        %dma_wait3A_339 = tpu.memref_squeeze %dma_wait3A_338 : memref<1x4096xf32, #tpu.memory_space<vmem>> -> memref<4096xf32, #tpu.memory_space<vmem>>
        %dma_wait3A_340 = arith.constant 8192 : i32
        %dma_wait3A_341 = tpu.memref_slice %arg4[%add3A_335, %dma_wait3A_340] : memref<832x16384xf32, #tpu.memory_space<hbm>> -> memref<1x4096xf32, #tpu.memory_space<hbm>>
        %dma_wait3A_342 = tpu.memref_squeeze %dma_wait3A_341 : memref<1x4096xf32, #tpu.memory_space<hbm>> -> memref<4096xf32, #tpu.memory_space<hbm>>
        %dma_wait3A_343 = arith.constant 8192 : i32
        %dma_wait3A_344 = tpu.memref_slice %arg4[%add3A_335, %dma_wait3A_343] : memref<832x16384xf32, #tpu.memory_space<hbm>> -> memref<1x4096xf32, #tpu.memory_space<hbm>>
        %dma_wait3A_345 = tpu.memref_squeeze %dma_wait3A_344 : memref<1x4096xf32, #tpu.memory_space<hbm>> -> memref<4096xf32, #tpu.memory_space<hbm>>
        %dma_wait3A_346 = arith.constant 0 : i32
        %dma_wait3A_347 = tpu.memref_slice %arg7[%dma_wait3A_336, %dma_wait3A_346] : memref<4x4096xf32, #tpu.memory_space<vmem>> -> memref<1x4096xf32, #tpu.memory_space<vmem>>
        %dma_wait3A_348 = tpu.memref_squeeze %dma_wait3A_347 : memref<1x4096xf32, #tpu.memory_space<vmem>> -> memref<4096xf32, #tpu.memory_space<vmem>>
        tpu.wait_dma2 semaphore(%arg11 : memref<!tpu.dma_semaphore, #tpu.memory_space<semaphore_mem>>) src(%dma_wait3A_348 : memref<4096xf32, #tpu.memory_space<vmem>>) dst(%dma_wait3A_345 : memref<4096xf32, #tpu.memory_space<hbm>>)
      } else {
      }
      %parallel_loop3A_242 = arith.constant 0 : i32
      %parallel_loop3A_243 = arith.constant 4096 : i32
      %parallel_loop3A_244 = arith.constant 16 : i32
      scf.for %parallel_loop3A_333 = %parallel_loop3A_242 to %parallel_loop3A_243 step %parallel_loop3A_244  : i32 {
        %parallel_loop3A_334 = arith.constant 0 : i32
        %parallel_loop3A_335 = arith.index_cast %parallel_loop3A_334 : i32 to index
        %parallel_loop3A_336 = arith.index_cast %parallel_loop3A_333 : i32 to index
        %parallel_loop3A_337 = tpu.vector_load %arg5[%parallel_loop3A_335, %parallel_loop3A_336] {strides = array<i32>} : memref<2x4096xi32, #tpu.memory_space<vmem>>, vector<16xi32>,
        %parallel_loop3A_338 = tpu.vector_load_idx %arg6[%parallel_loop3A_337] : memref<100000xf32, #tpu.memory_space<vmem>>[vector<16xi32>], vector<16xf32>,
        %parallel_loop3A_339 = arith.constant 2 : i32
        %parallel_loop3A_340 = arith.index_cast %parallel_loop3A_339 : i32 to index
        %parallel_loop3A_341 = arith.index_cast %parallel_loop3A_333 : i32 to index
        %parallel_loop3A_342 = tpu.vector_load %arg7[%parallel_loop3A_340, %parallel_loop3A_341] {strides = array<i32>} : memref<4x4096xf32, #tpu.memory_space<vmem>>, vector<16xf32>,
        tpu.vector_store %arg7[%parallel_loop3A_340, %parallel_loop3A_341], %parallel_loop3A_338 {strides = array<i32>} : memref<4x4096xf32, #tpu.memory_space<vmem>>, vector<16xf32>,
      } {sc.loop_unroll_factor = 16 : i64, sc.parallel_access}
      %mul3A_245 = arith.constant 32 : i32
      %mul3A_246 = arith.muli %scan3A_93, %mul3A_245 : i32
      %add3A_247 = arith.addi %mul3A_246, %add3A : i32
      %dma_start3A_248 = arith.constant 2 : i32
      %dma_start3A_249 = arith.constant 0 : i32
      %dma_start3A_250 = tpu.memref_slice %arg7[%dma_start3A_248, %dma_start3A_249] : memref<4x4096xf32, #tpu.memory_space<vmem>> -> memref<1x4096xf32, #tpu.memory_space<vmem>>
      %dma_start3A_251 = tpu.memref_squeeze %dma_start3A_250 : memref<1x4096xf32, #tpu.memory_space<vmem>> -> memref<4096xf32, #tpu.memory_space<vmem>>
      %dma_start3A_252 = arith.constant 8192 : i32
      %dma_start3A_253 = tpu.memref_slice %arg4[%add3A_247, %dma_start3A_252] : memref<832x16384xf32, #tpu.memory_space<hbm>> -> memref<1x4096xf32, #tpu.memory_space<hbm>>
      %dma_start3A_254 = tpu.memref_squeeze %dma_start3A_253 : memref<1x4096xf32, #tpu.memory_space<hbm>> -> memref<4096xf32, #tpu.memory_space<hbm>>
      %dma_start3A_255 = arith.constant 8192 : i32
      %dma_start3A_256 = tpu.memref_slice %arg4[%add3A_247, %dma_start3A_255] : memref<832x16384xf32, #tpu.memory_space<hbm>> -> memref<1x4096xf32, #tpu.memory_space<hbm>>
      %dma_start3A_257 = tpu.memref_squeeze %dma_start3A_256 : memref<1x4096xf32, #tpu.memory_space<hbm>> -> memref<4096xf32, #tpu.memory_space<hbm>>
      %dma_start3A_258 = arith.constant 0 : i32
      %dma_start3A_259 = tpu.memref_slice %arg7[%dma_start3A_248, %dma_start3A_258] : memref<4x4096xf32, #tpu.memory_space<vmem>> -> memref<1x4096xf32, #tpu.memory_space<vmem>>
      %dma_start3A_260 = tpu.memref_squeeze %dma_start3A_259 : memref<1x4096xf32, #tpu.memory_space<vmem>> -> memref<4096xf32, #tpu.memory_space<vmem>>
      tpu.enqueue_dma source(%dma_start3A_260 : memref<4096xf32, #tpu.memory_space<vmem>>) target(%dma_start3A_257 : memref<4096xf32, #tpu.memory_space<hbm>>) target_semaphore(%arg11 : memref<!tpu.dma_semaphore, #tpu.memory_space<semaphore_mem>>)
      %dma_wait3A_261 = arith.constant 1 : i32
      %dma_wait3A_262 = arith.constant 0 : i32
      %dma_wait3A_263 = tpu.memref_slice %arg5[%dma_wait3A_261, %dma_wait3A_262] : memref<2x4096xi32, #tpu.memory_space<vmem>> -> memref<1x4096xi32, #tpu.memory_space<vmem>>
      %dma_wait3A_264 = tpu.memref_squeeze %dma_wait3A_263 : memref<1x4096xi32, #tpu.memory_space<vmem>> -> memref<4096xi32, #tpu.memory_space<vmem>>
      %dma_wait3A_265 = arith.constant 12288 : i32
      %dma_wait3A_266 = tpu.memref_slice %arg8[%select_n3A_103, %dma_wait3A_265] : memref<2x16384xi32, #tpu.memory_space<vmem_shared>> -> memref<1x4096xi32, #tpu.memory_space<vmem_shared>>
      %dma_wait3A_267 = tpu.memref_squeeze %dma_wait3A_266 : memref<1x4096xi32, #tpu.memory_space<vmem_shared>> -> memref<4096xi32, #tpu.memory_space<vmem_shared>>
      %dma_wait3A_268 = arith.constant 0 : i32
      %dma_wait3A_269 = tpu.memref_slice %arg5[%dma_wait3A_261, %dma_wait3A_268] : memref<2x4096xi32, #tpu.memory_space<vmem>> -> memref<1x4096xi32, #tpu.memory_space<vmem>>
      %dma_wait3A_270 = tpu.memref_squeeze %dma_wait3A_269 : memref<1x4096xi32, #tpu.memory_space<vmem>> -> memref<4096xi32, #tpu.memory_space<vmem>>
      %dma_wait3A_271 = arith.constant 12288 : i32
      %dma_wait3A_272 = tpu.memref_slice %arg8[%select_n3A_103, %dma_wait3A_271] : memref<2x16384xi32, #tpu.memory_space<vmem_shared>> -> memref<1x4096xi32, #tpu.memory_space<vmem_shared>>
      %dma_wait3A_273 = tpu.memref_squeeze %dma_wait3A_272 : memref<1x4096xi32, #tpu.memory_space<vmem_shared>> -> memref<4096xi32, #tpu.memory_space<vmem_shared>>
      tpu.wait_dma2 semaphore(%arg12 : memref<!tpu.dma_semaphore, #tpu.memory_space<semaphore_mem>>) src(%dma_wait3A_273 : memref<4096xi32, #tpu.memory_space<vmem_shared>>) dst(%dma_wait3A_270 : memref<4096xi32, #tpu.memory_space<vmem>>)
      %ge3A_274 = arith.constant 1 : i32
      %ge3A_275 = arith.cmpi sge, %scan3A_93, %ge3A_274 : i32
      %convert_element_type3A_276 = arith.extui %ge3A_275 : i1 to i32
      %cond3A_277 = arith.constant 0 : i32
      %cond3A_278 = arith.cmpi ne, %convert_element_type3A_276, %cond3A_277 : i32
      scf.if %cond3A_278 {
        %mul3A_333 = arith.constant 32 : i32
        %mul3A_334 = arith.muli %scan3A_93, %mul3A_333 : i32
        %add3A_335 = arith.addi %mul3A_334, %add3A : i32
        %dma_wait3A_336 = arith.constant 3 : i32
        %dma_wait3A_337 = arith.constant 0 : i32
        %dma_wait3A_338 = tpu.memref_slice %arg7[%dma_wait3A_336, %dma_wait3A_337] : memref<4x4096xf32, #tpu.memory_space<vmem>> -> memref<1x4096xf32, #tpu.memory_space<vmem>>
        %dma_wait3A_339 = tpu.memref_squeeze %dma_wait3A_338 : memref<1x4096xf32, #tpu.memory_space<vmem>> -> memref<4096xf32, #tpu.memory_space<vmem>>
        %dma_wait3A_340 = arith.constant 12288 : i32
        %dma_wait3A_341 = tpu.memref_slice %arg4[%add3A_335, %dma_wait3A_340] : memref<832x16384xf32, #tpu.memory_space<hbm>> -> memref<1x4096xf32, #tpu.memory_space<hbm>>
        %dma_wait3A_342 = tpu.memref_squeeze %dma_wait3A_341 : memref<1x4096xf32, #tpu.memory_space<hbm>> -> memref<4096xf32, #tpu.memory_space<hbm>>
        %dma_wait3A_343 = arith.constant 12288 : i32
        %dma_wait3A_344 = tpu.memref_slice %arg4[%add3A_335, %dma_wait3A_343] : memref<832x16384xf32, #tpu.memory_space<hbm>> -> memref<1x4096xf32, #tpu.memory_space<hbm>>
        %dma_wait3A_345 = tpu.memref_squeeze %dma_wait3A_344 : memref<1x4096xf32, #tpu.memory_space<hbm>> -> memref<4096xf32, #tpu.memory_space<hbm>>
        %dma_wait3A_346 = arith.constant 0 : i32
        %dma_wait3A_347 = tpu.memref_slice %arg7[%dma_wait3A_336, %dma_wait3A_346] : memref<4x4096xf32, #tpu.memory_space<vmem>> -> memref<1x4096xf32, #tpu.memory_space<vmem>>
        %dma_wait3A_348 = tpu.memref_squeeze %dma_wait3A_347 : memref<1x4096xf32, #tpu.memory_space<vmem>> -> memref<4096xf32, #tpu.memory_space<vmem>>
        tpu.wait_dma2 semaphore(%arg11 : memref<!tpu.dma_semaphore, #tpu.memory_space<semaphore_mem>>) src(%dma_wait3A_348 : memref<4096xf32, #tpu.memory_space<vmem>>) dst(%dma_wait3A_345 : memref<4096xf32, #tpu.memory_space<hbm>>)
      } else {
      }
      %parallel_loop3A_279 = arith.constant 0 : i32
      %parallel_loop3A_280 = arith.constant 4096 : i32
      %parallel_loop3A_281 = arith.constant 16 : i32
      scf.for %parallel_loop3A_333 = %parallel_loop3A_279 to %parallel_loop3A_280 step %parallel_loop3A_281  : i32 {
        %parallel_loop3A_334 = arith.constant 1 : i32
        %parallel_loop3A_335 = arith.index_cast %parallel_loop3A_334 : i32 to index
        %parallel_loop3A_336 = arith.index_cast %parallel_loop3A_333 : i32 to index
        %parallel_loop3A_337 = tpu.vector_load %arg5[%parallel_loop3A_335, %parallel_loop3A_336] {strides = array<i32>} : memref<2x4096xi32, #tpu.memory_space<vmem>>, vector<16xi32>,
        %parallel_loop3A_338 = tpu.vector_load_idx %arg6[%parallel_loop3A_337] : memref<100000xf32, #tpu.memory_space<vmem>>[vector<16xi32>], vector<16xf32>,
        %parallel_loop3A_339 = arith.constant 3 : i32
        %parallel_loop3A_340 = arith.index_cast %parallel_loop3A_339 : i32 to index
        %parallel_loop3A_341 = arith.index_cast %parallel_loop3A_333 : i32 to index
        %parallel_loop3A_342 = tpu.vector_load %arg7[%parallel_loop3A_340, %parallel_loop3A_341] {strides = array<i32>} : memref<4x4096xf32, #tpu.memory_space<vmem>>, vector<16xf32>,
        tpu.vector_store %arg7[%parallel_loop3A_340, %parallel_loop3A_341], %parallel_loop3A_338 {strides = array<i32>} : memref<4x4096xf32, #tpu.memory_space<vmem>>, vector<16xf32>,
      } {sc.loop_unroll_factor = 16 : i64, sc.parallel_access}
      %add3A_282 = arith.constant 1 : i32
      %add3A_283 = arith.addi %scan3A_93, %add3A_282 : i32
      %lt3A_284 = arith.constant 26 : i32
      %lt3A_285 = arith.cmpi slt, %add3A_283, %lt3A_284 : i32
      %convert_element_type3A_286 = arith.extui %lt3A_285 : i1 to i32
      %cond3A_287 = arith.constant 0 : i32
      %cond3A_288 = arith.cmpi ne, %convert_element_type3A_286, %cond3A_287 : i32
      scf.if %cond3A_288 {
        %add3A_333 = arith.constant 1 : i32
        %add3A_334 = arith.addi %scan3A_93, %add3A_333 : i32
        %mul3A_335 = arith.constant 32 : i32
        %mul3A_336 = arith.muli %add3A_334, %mul3A_335 : i32
        %add3A_337 = arith.addi %mul3A_336, %add3A : i32
        %dma_start3A_338 = arith.constant 0 : i32
        %dma_start3A_339 = tpu.memref_slice %arg3[%add3A_337, %dma_start3A_338] : memref<832x100000xf32, #tpu.memory_space<hbm>> -> memref<1x100000xf32, #tpu.memory_space<hbm>>
        %dma_start3A_340 = tpu.memref_squeeze %dma_start3A_339 : memref<1x100000xf32, #tpu.memory_space<hbm>> -> memref<100000xf32, #tpu.memory_space<hbm>>
        %dma_start3A_341 = arith.constant 0 : i32
        %dma_start3A_342 = tpu.memref_slice %arg3[%add3A_337, %dma_start3A_341] : memref<832x100000xf32, #tpu.memory_space<hbm>> -> memref<1x100000xf32, #tpu.memory_space<hbm>>
        %dma_start3A_343 = tpu.memref_squeeze %dma_start3A_342 : memref<1x100000xf32, #tpu.memory_space<hbm>> -> memref<100000xf32, #tpu.memory_space<hbm>>
        tpu.enqueue_dma source(%dma_start3A_343 : memref<100000xf32, #tpu.memory_space<hbm>>) target(%arg6 : memref<100000xf32, #tpu.memory_space<vmem>>) target_semaphore(%arg9 : memref<!tpu.dma_semaphore, #tpu.memory_space<semaphore_mem>>)
      } else {
      }
      %mul3A_289 = arith.constant 32 : i32
      %mul3A_290 = arith.muli %scan3A_93, %mul3A_289 : i32
      %add3A_291 = arith.addi %mul3A_290, %add3A : i32
      %dma_start3A_292 = arith.constant 3 : i32
      %dma_start3A_293 = arith.constant 0 : i32
      %dma_start3A_294 = tpu.memref_slice %arg7[%dma_start3A_292, %dma_start3A_293] : memref<4x4096xf32, #tpu.memory_space<vmem>> -> memref<1x4096xf32, #tpu.memory_space<vmem>>
      %dma_start3A_295 = tpu.memref_squeeze %dma_start3A_294 : memref<1x4096xf32, #tpu.memory_space<vmem>> -> memref<4096xf32, #tpu.memory_space<vmem>>
      %dma_start3A_296 = arith.constant 12288 : i32
      %dma_start3A_297 = tpu.memref_slice %arg4[%add3A_291, %dma_start3A_296] : memref<832x16384xf32, #tpu.memory_space<hbm>> -> memref<1x4096xf32, #tpu.memory_space<hbm>>
      %dma_start3A_298 = tpu.memref_squeeze %dma_start3A_297 : memref<1x4096xf32, #tpu.memory_space<hbm>> -> memref<4096xf32, #tpu.memory_space<hbm>>
      %dma_start3A_299 = arith.constant 12288 : i32
      %dma_start3A_300 = tpu.memref_slice %arg4[%add3A_291, %dma_start3A_299] : memref<832x16384xf32, #tpu.memory_space<hbm>> -> memref<1x4096xf32, #tpu.memory_space<hbm>>
      %dma_start3A_301 = tpu.memref_squeeze %dma_start3A_300 : memref<1x4096xf32, #tpu.memory_space<hbm>> -> memref<4096xf32, #tpu.memory_space<hbm>>
      %dma_start3A_302 = arith.constant 0 : i32
      %dma_start3A_303 = tpu.memref_slice %arg7[%dma_start3A_292, %dma_start3A_302] : memref<4x4096xf32, #tpu.memory_space<vmem>> -> memref<1x4096xf32, #tpu.memory_space<vmem>>
      %dma_start3A_304 = tpu.memref_squeeze %dma_start3A_303 : memref<1x4096xf32, #tpu.memory_space<vmem>> -> memref<4096xf32, #tpu.memory_space<vmem>>
      tpu.enqueue_dma source(%dma_start3A_304 : memref<4096xf32, #tpu.memory_space<vmem>>) target(%dma_start3A_301 : memref<4096xf32, #tpu.memory_space<hbm>>) target_semaphore(%arg11 : memref<!tpu.dma_semaphore, #tpu.memory_space<semaphore_mem>>)
      %eq3A_305 = arith.constant 0 : i32
      %eq3A_306 = arith.cmpi eq, %arg1, %eq3A_305 : i32
      %add3A_307 = arith.constant 1 : i32
      %add3A_308 = arith.addi %scan3A_93, %add3A_307 : i32
      %lt3A_309 = arith.constant 26 : i32
      %lt3A_310 = arith.cmpi slt, %add3A_308, %lt3A_309 : i32
      %and3A_311 = arith.andi %eq3A_306, %lt3A_310 : i1
      %convert_element_type3A_312 = arith.extui %and3A_311 : i1 to i32
      %cond3A_313 = arith.constant 0 : i32
      %cond3A_314 = arith.cmpi ne, %convert_element_type3A_312, %cond3A_313 : i32
      scf.if %cond3A_314 {
        %add3A_333 = arith.constant 1 : i32
        %add3A_334 = arith.addi %scan3A_93, %add3A_333 : i32
        %sub3A = arith.constant 1 : i32
        %sub3A_335 = arith.subi %sub3A, %select_n3A_103 : i32
        %mul3A_336 = arith.constant 16384 : i32
        %mul3A_337 = arith.muli %add3A_334, %mul3A_336 : i32
        %dma_wait3A_338 = arith.constant 0 : i32
        %dma_wait3A_339 = tpu.memref_slice %arg8[%sub3A_335, %dma_wait3A_338] : memref<2x16384xi32, #tpu.memory_space<vmem_shared>> -> memref<1x16384xi32, #tpu.memory_space<vmem_shared>>
        %dma_wait3A_340 = tpu.memref_squeeze %dma_wait3A_339 : memref<1x16384xi32, #tpu.memory_space<vmem_shared>> -> memref<16384xi32, #tpu.memory_space<vmem_shared>>
        %dma_wait3A_341 = tpu.memref_slice %arg2[%mul3A_337] : memref<425984xi32, #tpu.memory_space<hbm>> -> memref<16384xi32, #tpu.memory_space<hbm>>
        tpu.wait_dma2 semaphore(%arg10 : memref<!tpu.dma_semaphore, #tpu.memory_space<semaphore_mem>>) src(%dma_wait3A_341 : memref<16384xi32, #tpu.memory_space<hbm>>) dst(%dma_wait3A_340 : memref<16384xi32, #tpu.memory_space<vmem_shared>>)
      } else {
      }
      %barrier3A_315 = arith.constant 0 : index
      tpu.barrier barrier_id(%barrier3A_315)
      %eq3A_316 = arith.constant 0 : i32
      %eq3A_317 = arith.cmpi eq, %arg1, %eq3A_316 : i32
      %add3A_318 = arith.constant 2 : i32
      %add3A_319 = arith.addi %scan3A_93, %add3A_318 : i32
      %lt3A_320 = arith.constant 26 : i32
      %lt3A_321 = arith.cmpi slt, %add3A_319, %lt3A_320 : i32
      %and3A_322 = arith.andi %eq3A_317, %lt3A_321 : i1
      %convert_element_type3A_323 = arith.extui %and3A_322 : i1 to i32
      %cond3A_324 = arith.constant 0 : i32
      %cond3A_325 = arith.cmpi ne, %convert_element_type3A_323, %cond3A_324 : i32
      scf.if %cond3A_325 {
        %add3A_333 = arith.constant 2 : i32
        %add3A_334 = arith.addi %scan3A_93, %add3A_333 : i32
        %mul3A_335 = arith.constant 16384 : i32
        %mul3A_336 = arith.muli %add3A_334, %mul3A_335 : i32
        %dma_start3A_337 = arith.constant 0 : i32
        %dma_start3A_338 = tpu.memref_slice %arg8[%select_n3A_103, %dma_start3A_337] : memref<2x16384xi32, #tpu.memory_space<vmem_shared>> -> memref<1x16384xi32, #tpu.memory_space<vmem_shared>>
        %dma_start3A_339 = tpu.memref_squeeze %dma_start3A_338 : memref<1x16384xi32, #tpu.memory_space<vmem_shared>> -> memref<16384xi32, #tpu.memory_space<vmem_shared>>
        %dma_start3A_340 = tpu.memref_slice %arg2[%mul3A_336] : memref<425984xi32, #tpu.memory_space<hbm>> -> memref<16384xi32, #tpu.memory_space<hbm>>
        tpu.enqueue_dma source(%dma_start3A_340 : memref<16384xi32, #tpu.memory_space<hbm>>) target(%dma_start3A_339 : memref<16384xi32, #tpu.memory_space<vmem_shared>>) target_semaphore(%arg10 : memref<!tpu.dma_semaphore, #tpu.memory_space<semaphore_mem>>)
      } else {
      }
      %add3A_326 = arith.constant 1 : i32
      %add3A_327 = arith.addi %scan3A_93, %add3A_326 : i32
      %lt3A_328 = arith.constant 26 : i32
      %lt3A_329 = arith.cmpi slt, %add3A_327, %lt3A_328 : i32
      %convert_element_type3A_330 = arith.extui %lt3A_329 : i1 to i32
      %cond3A_331 = arith.constant 0 : i32
      %cond3A_332 = arith.cmpi ne, %convert_element_type3A_330, %cond3A_331 : i32
      scf.if %cond3A_332 {
        %sub3A = arith.constant 1 : i32
        %sub3A_333 = arith.subi %sub3A, %select_n3A_103 : i32
        %dma_start3A_334 = arith.constant 0 : i32
        %dma_start3A_335 = arith.constant 0 : i32
        %dma_start3A_336 = tpu.memref_slice %arg5[%dma_start3A_334, %dma_start3A_335] : memref<2x4096xi32, #tpu.memory_space<vmem>> -> memref<1x4096xi32, #tpu.memory_space<vmem>>
        %dma_start3A_337 = tpu.memref_squeeze %dma_start3A_336 : memref<1x4096xi32, #tpu.memory_space<vmem>> -> memref<4096xi32, #tpu.memory_space<vmem>>
        %dma_start3A_338 = arith.constant 0 : i32
        %dma_start3A_339 = tpu.memref_slice %arg8[%sub3A_333, %dma_start3A_338] : memref<2x16384xi32, #tpu.memory_space<vmem_shared>> -> memref<1x4096xi32, #tpu.memory_space<vmem_shared>>
        %dma_start3A_340 = tpu.memref_squeeze %dma_start3A_339 : memref<1x4096xi32, #tpu.memory_space<vmem_shared>> -> memref<4096xi32, #tpu.memory_space<vmem_shared>>
        %dma_start3A_341 = arith.constant 0 : i32
        %dma_start3A_342 = tpu.memref_slice %arg5[%dma_start3A_334, %dma_start3A_341] : memref<2x4096xi32, #tpu.memory_space<vmem>> -> memref<1x4096xi32, #tpu.memory_space<vmem>>
        %dma_start3A_343 = tpu.memref_squeeze %dma_start3A_342 : memref<1x4096xi32, #tpu.memory_space<vmem>> -> memref<4096xi32, #tpu.memory_space<vmem>>
        %dma_start3A_344 = arith.constant 0 : i32
        %dma_start3A_345 = tpu.memref_slice %arg8[%sub3A_333, %dma_start3A_344] : memref<2x16384xi32, #tpu.memory_space<vmem_shared>> -> memref<1x4096xi32, #tpu.memory_space<vmem_shared>>
        %dma_start3A_346 = tpu.memref_squeeze %dma_start3A_345 : memref<1x4096xi32, #tpu.memory_space<vmem_shared>> -> memref<4096xi32, #tpu.memory_space<vmem_shared>>
        tpu.enqueue_dma source(%dma_start3A_346 : memref<4096xi32, #tpu.memory_space<vmem_shared>>) target(%dma_start3A_343 : memref<4096xi32, #tpu.memory_space<vmem>>) target_semaphore(%arg12 : memref<!tpu.dma_semaphore, #tpu.memory_space<semaphore_mem>>)
      } else {
      }
    }
    %scan3A_33 = arith.constant 26 : i32
    %add3A_34 = arith.constant 800 : i32
    %add3A_35 = arith.addi %add3A_34, %add3A : i32
    %dma_wait3A = arith.constant 0 : i32
    %dma_wait3A_36 = arith.constant 0 : i32
    %dma_wait3A_37 = tpu.memref_slice %arg7[%dma_wait3A, %dma_wait3A_36] : memref<4x4096xf32, #tpu.memory_space<vmem>> -> memref<1x4096xf32, #tpu.memory_space<vmem>>
    %dma_wait3A_38 = tpu.memref_squeeze %dma_wait3A_37 : memref<1x4096xf32, #tpu.memory_space<vmem>> -> memref<4096xf32, #tpu.memory_space<vmem>>
    %dma_wait3A_39 = arith.constant 0 : i32
    %dma_wait3A_40 = tpu.memref_slice %arg4[%add3A_35, %dma_wait3A_39] : memref<832x16384xf32, #tpu.memory_space<hbm>> -> memref<1x4096xf32, #tpu.memory_space<hbm>>
    %dma_wait3A_41 = tpu.memref_squeeze %dma_wait3A_40 : memref<1x4096xf32, #tpu.memory_space<hbm>> -> memref<4096xf32, #tpu.memory_space<hbm>>
    %dma_wait3A_42 = arith.constant 0 : i32
    %dma_wait3A_43 = tpu.memref_slice %arg4[%add3A_35, %dma_wait3A_42] : memref<832x16384xf32, #tpu.memory_space<hbm>> -> memref<1x4096xf32, #tpu.memory_space<hbm>>
    %dma_wait3A_44 = tpu.memref_squeeze %dma_wait3A_43 : memref<1x4096xf32, #tpu.memory_space<hbm>> -> memref<4096xf32, #tpu.memory_space<hbm>>
    %dma_wait3A_45 = arith.constant 0 : i32
    %dma_wait3A_46 = tpu.memref_slice %arg7[%dma_wait3A, %dma_wait3A_45] : memref<4x4096xf32, #tpu.memory_space<vmem>> -> memref<1x4096xf32, #tpu.memory_space<vmem>>
    %dma_wait3A_47 = tpu.memref_squeeze %dma_wait3A_46 : memref<1x4096xf32, #tpu.memory_space<vmem>> -> memref<4096xf32, #tpu.memory_space<vmem>>
    tpu.wait_dma2 semaphore(%arg11 : memref<!tpu.dma_semaphore, #tpu.memory_space<semaphore_mem>>) src(%dma_wait3A_47 : memref<4096xf32, #tpu.memory_space<vmem>>) dst(%dma_wait3A_44 : memref<4096xf32, #tpu.memory_space<hbm>>)
    %add3A_48 = arith.constant 800 : i32
    %add3A_49 = arith.addi %add3A_48, %add3A : i32
    %dma_wait3A_50 = arith.constant 1 : i32
    %dma_wait3A_51 = arith.constant 0 : i32
    %dma_wait3A_52 = tpu.memref_slice %arg7[%dma_wait3A_50, %dma_wait3A_51] : memref<4x4096xf32, #tpu.memory_space<vmem>> -> memref<1x4096xf32, #tpu.memory_space<vmem>>
    %dma_wait3A_53 = tpu.memref_squeeze %dma_wait3A_52 : memref<1x4096xf32, #tpu.memory_space<vmem>> -> memref<4096xf32, #tpu.memory_space<vmem>>
    %dma_wait3A_54 = arith.constant 4096 : i32
    %dma_wait3A_55 = tpu.memref_slice %arg4[%add3A_49, %dma_wait3A_54] : memref<832x16384xf32, #tpu.memory_space<hbm>> -> memref<1x4096xf32, #tpu.memory_space<hbm>>
    %dma_wait3A_56 = tpu.memref_squeeze %dma_wait3A_55 : memref<1x4096xf32, #tpu.memory_space<hbm>> -> memref<4096xf32, #tpu.memory_space<hbm>>
    %dma_wait3A_57 = arith.constant 4096 : i32
    %dma_wait3A_58 = tpu.memref_slice %arg4[%add3A_49, %dma_wait3A_57] : memref<832x16384xf32, #tpu.memory_space<hbm>> -> memref<1x4096xf32, #tpu.memory_space<hbm>>
    %dma_wait3A_59 = tpu.memref_squeeze %dma_wait3A_58 : memref<1x4096xf32, #tpu.memory_space<hbm>> -> memref<4096xf32, #tpu.memory_space<hbm>>
    %dma_wait3A_60 = arith.constant 0 : i32
    %dma_wait3A_61 = tpu.memref_slice %arg7[%dma_wait3A_50, %dma_wait3A_60] : memref<4x4096xf32, #tpu.memory_space<vmem>> -> memref<1x4096xf32, #tpu.memory_space<vmem>>
    %dma_wait3A_62 = tpu.memref_squeeze %dma_wait3A_61 : memref<1x4096xf32, #tpu.memory_space<vmem>> -> memref<4096xf32, #tpu.memory_space<vmem>>
    tpu.wait_dma2 semaphore(%arg11 : memref<!tpu.dma_semaphore, #tpu.memory_space<semaphore_mem>>) src(%dma_wait3A_62 : memref<4096xf32, #tpu.memory_space<vmem>>) dst(%dma_wait3A_59 : memref<4096xf32, #tpu.memory_space<hbm>>)
    %add3A_63 = arith.constant 800 : i32
    %add3A_64 = arith.addi %add3A_63, %add3A : i32
    %dma_wait3A_65 = arith.constant 2 : i32
    %dma_wait3A_66 = arith.constant 0 : i32
    %dma_wait3A_67 = tpu.memref_slice %arg7[%dma_wait3A_65, %dma_wait3A_66] : memref<4x4096xf32, #tpu.memory_space<vmem>> -> memref<1x4096xf32, #tpu.memory_space<vmem>>
    %dma_wait3A_68 = tpu.memref_squeeze %dma_wait3A_67 : memref<1x4096xf32, #tpu.memory_space<vmem>> -> memref<4096xf32, #tpu.memory_space<vmem>>
    %dma_wait3A_69 = arith.constant 8192 : i32
    %dma_wait3A_70 = tpu.memref_slice %arg4[%add3A_64, %dma_wait3A_69] : memref<832x16384xf32, #tpu.memory_space<hbm>> -> memref<1x4096xf32, #tpu.memory_space<hbm>>
    %dma_wait3A_71 = tpu.memref_squeeze %dma_wait3A_70 : memref<1x4096xf32, #tpu.memory_space<hbm>> -> memref<4096xf32, #tpu.memory_space<hbm>>
    %dma_wait3A_72 = arith.constant 8192 : i32
    %dma_wait3A_73 = tpu.memref_slice %arg4[%add3A_64, %dma_wait3A_72] : memref<832x16384xf32, #tpu.memory_space<hbm>> -> memref<1x4096xf32, #tpu.memory_space<hbm>>
    %dma_wait3A_74 = tpu.memref_squeeze %dma_wait3A_73 : memref<1x4096xf32, #tpu.memory_space<hbm>> -> memref<4096xf32, #tpu.memory_space<hbm>>
    %dma_wait3A_75 = arith.constant 0 : i32
    %dma_wait3A_76 = tpu.memref_slice %arg7[%dma_wait3A_65, %dma_wait3A_75] : memref<4x4096xf32, #tpu.memory_space<vmem>> -> memref<1x4096xf32, #tpu.memory_space<vmem>>
    %dma_wait3A_77 = tpu.memref_squeeze %dma_wait3A_76 : memref<1x4096xf32, #tpu.memory_space<vmem>> -> memref<4096xf32, #tpu.memory_space<vmem>>
    tpu.wait_dma2 semaphore(%arg11 : memref<!tpu.dma_semaphore, #tpu.memory_space<semaphore_mem>>) src(%dma_wait3A_77 : memref<4096xf32, #tpu.memory_space<vmem>>) dst(%dma_wait3A_74 : memref<4096xf32, #tpu.memory_space<hbm>>)
    %add3A_78 = arith.constant 800 : i32
    %add3A_79 = arith.addi %add3A_78, %add3A : i32
    %dma_wait3A_80 = arith.constant 3 : i32
    %dma_wait3A_81 = arith.constant 0 : i32
    %dma_wait3A_82 = tpu.memref_slice %arg7[%dma_wait3A_80, %dma_wait3A_81] : memref<4x4096xf32, #tpu.memory_space<vmem>> -> memref<1x4096xf32, #tpu.memory_space<vmem>>
    %dma_wait3A_83 = tpu.memref_squeeze %dma_wait3A_82 : memref<1x4096xf32, #tpu.memory_space<vmem>> -> memref<4096xf32, #tpu.memory_space<vmem>>
    %dma_wait3A_84 = arith.constant 12288 : i32
    %dma_wait3A_85 = tpu.memref_slice %arg4[%add3A_79, %dma_wait3A_84] : memref<832x16384xf32, #tpu.memory_space<hbm>> -> memref<1x4096xf32, #tpu.memory_space<hbm>>
    %dma_wait3A_86 = tpu.memref_squeeze %dma_wait3A_85 : memref<1x4096xf32, #tpu.memory_space<hbm>> -> memref<4096xf32, #tpu.memory_space<hbm>>
    %dma_wait3A_87 = arith.constant 12288 : i32
    %dma_wait3A_88 = tpu.memref_slice %arg4[%add3A_79, %dma_wait3A_87] : memref<832x16384xf32, #tpu.memory_space<hbm>> -> memref<1x4096xf32, #tpu.memory_space<hbm>>
    %dma_wait3A_89 = tpu.memref_squeeze %dma_wait3A_88 : memref<1x4096xf32, #tpu.memory_space<hbm>> -> memref<4096xf32, #tpu.memory_space<hbm>>
    %dma_wait3A_90 = arith.constant 0 : i32
    %dma_wait3A_91 = tpu.memref_slice %arg7[%dma_wait3A_80, %dma_wait3A_90] : memref<4x4096xf32, #tpu.memory_space<vmem>> -> memref<1x4096xf32, #tpu.memory_space<vmem>>
    %dma_wait3A_92 = tpu.memref_squeeze %dma_wait3A_91 : memref<1x4096xf32, #tpu.memory_space<vmem>> -> memref<4096xf32, #tpu.memory_space<vmem>>
    tpu.wait_dma2 semaphore(%arg11 : memref<!tpu.dma_semaphore, #tpu.memory_space<semaphore_mem>>) src(%dma_wait3A_92 : memref<4096xf32, #tpu.memory_space<vmem>>) dst(%dma_wait3A_89 : memref<4096xf32, #tpu.memory_space<hbm>>)
    return
  }
}

</mosaic_0001>

<sc_bundles>
// kernel: kernel.3.cloned.1.call-start
scs
__scs_entry_jumppad:
0x0: {  	(pc) =	sbr.rel $0x88, $3  }
0x1: {  	(tag) =	ssettag $0x0;
	lr =	simm.s32 $0x1  }
0x2: {  	[smem:$0x3F9F] =	sst lr;
	_ =	strace $0xD0000000  }
0x3: {  	_ = 	snop  }
0x4: {  	_ = 	snop  }
0x5: {  	_ = 	snop  }
0x6: {  	_ = 	snop  }
0x7: {  	_ = 	snop  }
__scs_overlays_trampoline_lowered:
0x8: {  	[smem:$0x3FAE] =	sst s0  }
0x9: {  	[smem:$0x3FAF] =	sst s1  }
0xa: {  	[smem:$0x3FB0] =	sst s2  }
0xb: {  	[smem:$0x3FB1] =	sst s3  }
0xc: {  	[smem:$0x3FB2] =	sst s4  }
0xd: {  	[smem:$0x3FB3] =	sst s5  }
0xe: {  	[smem:$0x3FB4] =	sst s6  }
0xf: {  	[smem:$0x3FB5] =	sst s7  }
0x10: {  	[smem:$0x3FB6] =	sst s8  }
0x11: {  	[smem:$0x3FB7] =	sst s9;
	s0 =	simm.s32 @!p0 $0x0  }
0x12: {  	s1 =	sld [smem:$0x3F9D];
	s0 =	simm.s32 @p0 $0x1  }
0x13: {  	[smem:$0x3FB8] =	sst s0;
	s0 =	simm.s32 @!p1 $0x0  }
0x14: {  	s2 =	sld [smem:$0x3F9C];
	s0 =	simm.s32 @p1 $0x1  }
0x15: {  	[smem:$0x3FB9] =	sst s0;
	s0 =	simm.s32 @!p2 $0x0  }
0x16: {  	s3 =	sld [smem:$0x3FDB];
	s0 =	simm.s32 @p2 $0x1  }
0x17: {  	s4 =	simm.s32 $0x1BF5;
	[smem:$0x3FBB] =	sst s0  }
0x18: {  	s0 =	sld [smem:$0x3F9E];
	_ =	swait.ge [sflag:s4], $0x0  }
0x19: {  	s7 =	sld [smem:$0x3F9F]  }
0x1a: {  	s8 =	sadd.s32 $0xFFFFE003, lr  }
0x1b: {  	s9 =	sadd.s32 $0xFFFFFEF7, lr;
	s5 =	simm.s32 $0xFFFFFFFF;
	p2 =	slt.u32 s8, $0xFFFFF086  }
0x1c: {  	p1 =	slt.u32 s9, $0xF7A;
	s5 =	simm.s32 @!p2 $0x0  }
0x1d: {  	s5 =	simm.s32 @p1 $0x1;
	p0 =	seq.s32 s7, s2  }
0x1e: {  	s7 =	smul.u32 @!p0 $0xF7A, s2;
	p2 =	seq.s32 @!p0 s5, $0x0  }
0x1f: {  	s9 =	smul.u32 $0xF7A, s1;
	s8 =	simm.s32 @!p0 $0x1BF5;
	p2 =	por !p2, p0  }
0x20: {  	[sflag:s8] =	ssyncset.s32 @!p0 $0xFFFFF086;
	s6 =	sadd.s32 @!p0 s3, s7;
	s7 =	simm.s32 @!p0 $0x108  }
0x21: {  	s3 =	sadd.s32 s3, s9;
	s6 =	sadd.s32 @!p0 $0x88, s6;
	s7 =	simm.s32 @p2 $0x1082  }
0x22: {  	[simem:s7], [sflag:s8] =	dma.local @!p0 [hbm:s6], $0xF7A  }
0x23: {  	s9 =	sor.u32 $0xD0000000, s2;
	s6 =	simm.s32 $0x108;
	_ =	swait.ge @!p0 [sflag:s8], $0x0  }
0x24: {  	s3 =	sadd.s32 $0x88, s3;
	s6 =	simm.s32 @!p1 $0x1082;
	[sflag:s4] =	ssyncset.s32 $0xFFFFF086  }
0x25: {  	[simem:s6], [sflag:s4] =	dma.local [hbm:s3], $0xF7A  }
0x26: {  	[smem:$0x3F9F] =	sst s1;
	(tag) =	ssettag s2;
	_ =	strace s9  }
0x27: {  	s1 =	sld [smem:$0x3FAF]  }
0x28: {  	s2 =	sld [smem:$0x3FB0]  }
0x29: {  	s4 =	sld [smem:$0x3FB2]  }
0x2a: {  	p0 =	seq.s32 s5, $0x0;
	s5 =	sld [smem:$0x3FB3]  }
0x2b: {  	s6 =	sld [smem:$0x3FB4]  }
0x2c: {  	s7 =	sld [smem:$0x3FB5]  }
0x2d: {  	s3 =	simm.s32 $0x108;
	s8 =	sld [smem:$0x3FB6]  }
0x2e: {  	s3 =	simm.s32 @!p0 $0x1082;
	s9 =	sld [smem:$0x3FB7]  }
0x2f: {  	lr =	sadd.s32 s0, s3;
	s0 =	sld [smem:$0x3FAE]  }
0x30: {  	s3 =	sld [smem:$0x3FB1]  }
0x31: {  	[smem:$0x3FBA] =	sst s10  }
0x32: {  	s10 =	sld [smem:$0x3FB8];
	_ =	sdelay $0x3  }
0x33: {  	p0 =	seq.s32 s10, $0x1;
	s10 =	sld [smem:$0x3FBA];
	_ =	sdelay $0x3  }
0x34: {  	[smem:$0x3FBA] =	sst s10  }
0x35: {  	s10 =	sld [smem:$0x3FB9];
	_ =	sdelay $0x3  }
0x36: {  	p1 =	seq.s32 s10, $0x1;
	s10 =	sld [smem:$0x3FBA];
	_ =	sdelay $0x3  }
0x37: {  	[smem:$0x3FBA] =	sst s10  }
0x38: {  	s10 =	sld [smem:$0x3FBB]  }
0x39: {  	_ = 	snop;
	(pc) =	sbr.ind lr, $3  }
0x3a: {  	_ = 	snop  }
0x3b: {  	_ = 	snop  }
0x3c: {  	p2 =	seq.s32 s10, $0x1;
	s10 =	sld [smem:$0x3FBA]  }
0x3d: {  	_ =	shalt  }
0x3e: {  	_ =	shalt  }
0x3f: {  	_ =	shalt  }
0x40: {  	_ =	shalt  }
0x41: {  	_ =	shalt  }
0x42: {  	_ =	shalt  }
0x43: {  	_ =	shalt  }
0x44: {  	_ =	shalt  }
0x45: {  	_ =	shalt  }
0x46: {  	_ =	shalt  }
0x47: {  	_ =	shalt  }
0x48: {  	_ =	shalt  }
0x49: {  	_ =	shalt  }
0x4a: {  	_ =	shalt  }
0x4b: {  	_ =	shalt  }
0x4c: {  	_ =	shalt  }
0x4d: {  	_ =	shalt  }
0x4e: {  	_ =	shalt  }
0x4f: {  	_ =	shalt  }
0x50: {  	_ =	shalt  }
0x51: {  	_ =	shalt  }
0x52: {  	_ =	shalt  }
0x53: {  	_ =	shalt  }
0x54: {  	_ =	shalt  }
0x55: {  	_ =	shalt  }
0x56: {  	_ =	shalt  }
0x57: {  	_ =	shalt  }
0x58: {  	_ =	shalt  }
0x59: {  	_ =	shalt  }
0x5a: {  	_ =	shalt  }
0x5b: {  	_ =	shalt  }
0x5c: {  	_ =	shalt  }
0x5d: {  	_ =	shalt  }
0x5e: {  	_ =	shalt  }
0x5f: {  	_ =	shalt  }
0x60: {  	_ =	shalt  }
0x61: {  	_ =	shalt  }
0x62: {  	_ =	shalt  }
0x63: {  	_ =	shalt  }
0x64: {  	_ =	shalt  }
0x65: {  	_ =	shalt  }
0x66: {  	_ =	shalt  }
0x67: {  	_ =	shalt  }
0x68: {  	_ =	shalt  }
0x69: {  	_ =	shalt  }
0x6a: {  	_ =	shalt  }
0x6b: {  	_ =	shalt  }
0x6c: {  	_ =	shalt  }
0x6d: {  	_ =	shalt  }
0x6e: {  	_ =	shalt  }
0x6f: {  	_ =	shalt  }
0x70: {  	_ =	shalt  }
0x71: {  	_ =	shalt  }
0x72: {  	_ =	shalt  }
0x73: {  	_ =	shalt  }
0x74: {  	_ =	shalt  }
0x75: {  	_ =	shalt  }
0x76: {  	_ =	shalt  }
0x77: {  	_ =	shalt  }
0x78: {  	_ =	shalt  }
0x79: {  	_ =	shalt  }
0x7a: {  	_ =	shalt  }
0x7b: {  	_ =	shalt  }
0x7c: {  	_ =	shalt  }
0x7d: {  	_ =	shalt  }
0x7e: {  	_ =	shalt  }
0x7f: {  	_ =	shalt  }
0x80: {  	_ =	shalt  }
0x81: {  	_ =	shalt  }
0x82: {  	_ =	shalt  }
0x83: {  	_ =	shalt  }
0x84: {  	_ =	shalt  }
0x85: {  	_ =	shalt  }
0x86: {  	_ =	shalt  }
0x87: {  	_ =	shalt  }
.Lfunc_end0:
.L_simem_size_0:
called_computation_lowered:
.L_overlay_start_0:
0x88: {  	s2 =	sld [smem:$0x3FD9]  }
0x89: {  	s3 =	sld [smem:$0x3FFE];
	_ =	sdelay $0x1  }
0x8a: {  	s1 =	srdreg.scid  }
0x8b: {  	s0 =	sand.u32 $0x1, s1  }
0x8c: {  	s18 =	sshll.u32 s0, $0xA;
	s2 =	sadd.s32 s3, s2  }
0x8d: {  	s2 =	sadd.s32 s2, s18  }
0x8e: {  	[smem:$0x3FC6] =	sst s2  }
0x8f: {  	_ = 	snop  }
0x90: {  	s2 =	sld [smem:$0x3FC9]  }
0x91: {  	s19 =	sld [smem:$0x3FC8]  }
0x92: {  	s4 =	sld [smem:$0x3FD0];
	(tm) =	ssettm $0x1  }
0x93: {  	s5 =	sld [smem:$0x3FFB];
	_ =	sdelay $0x3  }
0x94: {  	_ =	strace s5  }
0x95: {  	s5 =	sld [smem:$0x3FFC];
	_ =	sdelay $0x3  }
0x96: {  	_ =	strace s5  }
0x97: {  	s5 =	sld [smem:$0x3FFD];
	_ =	sdelay $0x3  }
0x98: {  	_ =	strace s5  }
0x99: {  	_ =	strace $0x8FFFFFFF  }
0x9a: {  	s20 =	sld [smem:$0x3FDB];
	_ =	sdelay $0x1  }
0x9b: {  	s6 =	simm.s32 $_scs_section_size  }
0x9c: {  	s7 =	simm.s32 $_size__tile_overlayer_lowered;
	s8 =	simm.s32 $_tile_overlayer_lowered  }
0x9d: {  	s23 =	simm.s32 $0x1BFF;
	s22 =	sshll.u32 s8, $0x1;
	s5 =	sadd.s32 s6, s20  }
0x9e: {  	s9 =	simm.s32 $0x0;
	s21 =	sshll.u32 s7, $0x1;
	s7 =	sadd.s32 s22, s5  }
0x9f: {  	[timem:s9], [sflag:s23] =	dma.local [hbm:s7], s21  }
0xa0: {  	_ =	swait.ge [sflag:s23], s21  }
0xa1: {  	s6 =	ssub.s32 $0x0, s21;
	[sflag:s23] =	ssyncset.done $0x0  }
0xa2: {  	[sflag:s23] =	ssyncadd.s32 s6;
	_ =	sdelay $0x1  }
0xa3: {  	s24 =	simm.s32 $0x1B8B  }
0xa4: {  	_ =	swait.ge [sflag:s24], $0x1  }
0xa5: {  	[sflag:s24] =	ssyncset.done $0x0  }
0xa6: {  	s25 =	simm.s32 $0x1B8E;
	[sflag:s24] =	ssyncadd.s32 $0xFFFFFFFF  }
0xa7: {  	s26 =	simm.s32 $execute0_lowered;
	[smem:$0x3FD2] =	sst s25  }
0xa8: {  	s6 =	sshll.u32 s26, $0x1;
	_ =	strace $0x80000046;
	[dreg:$0x1] =	wrdreg $0xFFFFFFFF  }
0xa9: {  	s28 =	simm.s32 $_size_execute0_lowered;
	s5 =	sadd.s32 s5, s6;
	[dreg:$0x0] =	wrdreg $0x0  }
0xaa: {  	s6 =	sshll.u32 s28, $0x1;
	[dreg:$0x2] =	wrdreg s5  }
0xab: {  	[dreg:$0x3] =	wrdreg s6  }
0xac: {  	[dreg:$0x4] =	wrdreg $0xC0  }
0xad: {  	_ =	task [dreg:s9], $0x5FFFF  }
0xae: {  	[dreg:$0x1] =	wrdreg $0xFFFFFFFF  }
0xaf: {  	[dreg:$0x0] =	wrdreg $0x60  }
0xb0: {  	[dreg:$0x2] =	wrdreg s2  }
0xb1: {  	[dreg:$0x3] =	wrdreg s19  }
0xb2: {  	[dreg:$0x4] =	wrdreg s4  }
0xb3: {  	[dreg:$0x5] =	wrdreg $0x1E7000  }
0xb4: {  	[dreg:$0x6] =	wrdreg $0x9  }
0xb5: {  	_ =	task.clear_ibuf [dreg:s9], $0x7FFFF;
	_ =	strace $0x90000046  }
0xb6: {  	s29 =	simm.s32 $0x9;
	_ =	strace $0x80000048  }
0xb7: {  	_ =	swait.ge [sflag:s29], $0x1  }
0xb8: {  	[sflag:s29] =	ssyncadd.s32 $0xFFFFFFFF  }
0xb9: {  	_ =	strace $0x90000048  }
0xba: {  	_ =	sfence  }
0xbb: {  	s30 =	sld [smem:$0x0];
	_ =	sdelay $0x2  }
0xbc: {  	s31 =	sshll.u32 s1, $0xD;
	s1 =	sshrl.u32 s1, $0x2  }
0xbd: {  	s3 =	sand.u32 $0x4000, s31;
	s1 =	sadd.s32 s1, s30  }
0xbe: {  	s0 =	sor.u32 s3, s0;
	s1 =	sshll.u32 s1, $0x11  }
0xbf: {  	s0 =	sor.u32 s1, s0  }
0xc0: {  	s0 =	sadd.s32 $0x8F2B, s0  }
0xc1: {  	[sflag:s0] =	ssyncadd.remote.s32 $0x1  }
0xc2: {  	_ =	sfence.sel $0xFFFF  }
0xc3: {  	[dreg:$0x0] =	wrdreg $0xFFFFFFFF;
	(pc) =	sbr.abs _section_cstart, $3  }
0xc4: {  	[dreg:$0x1] =	wrdreg $0xFFFFFFFF  }
0xc5: {  	_ =	task.clear_ibuf [dreg:s9], $0x2FFFF;
	_ =	strace $0x9FFFFFFF  }
0xc6: {  	(tm) =	ssettm $0x7FFFFFFF  }
0xc7: {  	_ =	shalt  }
tec
execute0_lowered:
.L_overlay_start_1:
0x0: {  	(tag) =	ssettag $0x1  }
0x1: {  	s14 =	rddreg [dreg:$0x0]  }
0x2: {  	s1 =	rddreg [dreg:$0x1]  }
0x3: {  	s0 =	srdreg.scid;
	s3 =	rddreg [dreg:$0x2]  }
0x4: {  	s4 =	stileid.u32;
	s5 =	rddreg [dreg:$0x3];
	s21 =	simm.s32 $0x2000  }
0x5: {  	s24 =	simm.s32 $0x1;
	s25 =	simm.s32 $0x4;
	s28 =	simm.s32 $0x10  }
0x6: {  	s29 =	simm.s32 $0x1C02;
	s0 =	sand.u32 $0x1, s0;
	s2 =	sshll.u32 s4, $0x1  }
0x7: {  	s7 =	sshrl.u32 s4, $0x2;
	s31 =	sshll.u32 s4, $0xF;
	s10 =	sadd.s32 $0x800, s14  }
0x8: {  	s11 =	sadd.s32 $0x1000, s3;
	s12 =	sadd.s32 $0x2000, s3;
	s13 =	sadd.s32 $0x3000, s3  }
0x9: {  	s14 =	sadd.s32 $0x1000, s14;
	s16 =	sadd.s32 $0x2000, s5;
	s17 =	sadd.s32 $0x4000, s5  }
0xa: {  	p0 =	sne.s32 s4, $0x0;
	s6 =	sor.u32 s0, s2;
	s8 =	smul.u32 $0xC3800, s7  }
0xb: {  	s0 =	ssub.s32 $0x2, s0;
	s30 =	sshll.u32 s6, $0x7;
	s6 =	simm.s32 $0x0  }
0xc: {  	s9 =	sshrl.u32 s0, $0x1;
	s7 =	sand.u32 $0x380, s30;
	[smem:$0x7FF] =	sst s6  }
0xd: {  	s0 =	ssub.s32 s0, s9;
	s8 =	sor.u32 s8, s7;
	_ =	strace $0x80000047  }
.Ltmp0:
0xe: {  	[dreg:$0x6] =	wrdreg s10;
	s0 =	smax.u32 s0, $0x1;
	(pc) =	sbr.rel .LBB2_1-.Ltmp0, $4  }
0xf: {  	s8 =	sshrl.u32 s8, $0x3;
	[dreg:$0x7] =	wrdreg s0;
	s0 =	sshrl.u32 @!p0 s5, $0x3  }
0x10: {  	s9 =	sadd.s32 $0x80, s5;
	s8 =	sadd.s32 s1, s8;
	[dreg:$0x8] =	wrdreg s0  }
0x11: {  	s18 =	sadd.s32 $0x6000, s5;
	s0 =	sshrl.u32 @!p0 s9, $0x3;
	[dreg:$0x5] =	wrdreg s8  }
0x12: {  	s10 =	sand.u32 $0x60000, s31;
	[dreg:$0x9] =	wrdreg s0;
	s8 =	simm.s32 $0x0  }
.LBB2_32:
0x13: {  	s4 =	simm.s32 $0x3  }
0x14: {  	_ =	swait.ge [sflag:s4], $0x1000  }
0x15: {  	[sflag:s4] =	ssyncset.done $0x0  }
0x16: {  	[sflag:s4] =	ssyncadd.s32 $0xFFFFF000  }
0x17: {  	_ =	swait.ge [sflag:s4], $0x1000  }
0x18: {  	[sflag:s4] =	ssyncset.done $0x0  }
0x19: {  	[sflag:s4] =	ssyncadd.s32 $0xFFFFF000  }
0x1a: {  	_ =	swait.ge [sflag:s4], $0x1000  }
0x1b: {  	[sflag:s4] =	ssyncset.done $0x0  }
0x1c: {  	[sflag:s4] =	ssyncadd.s32 $0xFFFFF000  }
0x1d: {  	_ =	swait.ge [sflag:s4], $0x1000  }
0x1e: {  	s8 =	rddreg [dreg:$0xa]  }
0x1f: {  	s0 =	rddreg [dreg:$0x7];
	s8 =	sadd.s32 $0x1, s8  }
0x20: {  	p1 =	sne.s32 s8, s0  }
.Ltmp1:
0x21: {  	_ = 	snop;
	(pc) =	sbr.rel @!p1 .LBB2_33-.Ltmp1, $3  }
0x22: {  	_ =	sdelay $0x1  }
0x23: {  	[sflag:s4] =	ssyncset.done $0x0  }
0x24: {  	[sflag:s4] =	ssyncadd.s32 $0xFFFFF000  }
.LBB2_1:
0x25: {  	[dreg:$0xa] =	wrdreg s8  }
0x26: {  	s0 =	rddreg [dreg:$0x5];
	s4 =	simm.s32 $0x80;
	s31 =	simm.s32 $0x400  }
0x27: {  	[tilespmem:s21], [sflag:$0x1] =	stream.strided.gather [hbm4b:s0+s4], $0x18700, s31, s4, $0x38;
	[tilespmem:$0x1EF00] =	vst v63  }
0x28: {  	[bflag:$0x0] =	sbarrier.arrive @p0 $0xFFFF  }
0x29: {  	s8 =	simm.s32 @!p0 $0x10;
	s9 =	simm.s32 @!p0 $0x1C02;
	s15 =	rddreg [dreg:$0x0]  }
0x2a: {  	s0 =	simm.s32 @!p0 $0x1;
	s4 =	simm.s32 @!p0 $0x20;
	s19 =	rddreg [dreg:$0x8]  }
0x2b: {  	[spmem:s19@s4], [sflag:s9] =	dma.strided @!p0 [hbm:s15@s8], $0x800, s0, $0x10   }
0x2c: {  	s15 =	simm.s32 @!p0 $0x2  }
0x2d: {  	_ =	swait.ge @!p0 [sflag:s15], $0x800  }
0x2e: {  	[sflag:s15] =	ssyncset.done @!p0 $0x0  }
0x2f: {  	[sflag:s15] =	ssyncadd.s32 @!p0 $0xFFFFF800  }
0x30: {  	[bflag:$0x0] =	sbarrier.arrive @!p0 $0xFFFF  }
0x31: {  	s15 =	rddreg [dreg:$0x6]  }
0x32: {  	s19 =	rddreg [dreg:$0x9]  }
0x33: {  	[spmem:s19@s4], [sflag:s9] =	dma.strided @!p0 [hbm:s15@s8], $0x800, s0, $0x10   }
0x34: {  	s0 =	simm.s32 $0x0  }
.LBB2_2:
0x35: {  	p1 =	sne.s32 s0, $0x7C00  }
.Ltmp2:
0x36: {  	_ = 	snop;
	(pc) =	sbr.rel @p1 .LBB2_2-.Ltmp2, $4  }
0x37: {  	_ = 	snop  }
0x38: {  	s4 =	sshra.s32 s0, $0x2  }
0x39: {  	s0 =	sadd.s32 $0x400, s0;
	s8 =	sadd.s32 s4, s5  }
0x3a: {  	[tilespmem:s4], [sflag:$0x4] =	stream.linear.gather [spmem:s8], $0x80, $0x38;
	[tilespmem:$0x1EF00] =	vst v63  }
0x3b: {  	s4 =	simm.s32 $0x0;
	p1 =	por $0x0, $0x0  }
.LBB2_4:
0x3c: {  	s0 =	simm.s32 $0x1;
	_ =	swait.ge [sflag:s24], $0x18700;
	s15 =	sshll.u32 s4, $0x7  }
0x3d: {  	s23 =	simm.s32 $0x80;
	s0 =	simm.s32 @!p1 $0x0;
	[sflag:s24] =	ssyncset.done $0x0  }
0x3e: {  	s19 =	sand.u32 $0x80, s15;
	s15 =	simm.s32 $0x400;
	s0 =	sshll.u32 s0, $0x7  }
0x3f: {  	s8 =	sadd.s32 s0, s18;
	s9 =	sadd.s32 s0, s17;
	s0 =	sadd.s32 s0, s16  }
0x40: {  	[sflag:s24] =	ssyncadd.s32 $0xFFFE7900;
	s20 =	sadd.s32 s19, s5;
	s22 =	sadd.s32 $0x0, s0  }
.LBB2_5:
0x41: {  	[tilespmem:s23], [sflag:$0x4] =	stream.linear.gather [spmem:s22], $0x80, $0x38;
	[tilespmem:$0x1EF00] =	vst v63  }
0x42: {  	s22 =	smov.u32 s15;
	p2 =	sne.s32 s15, $0x7C00  }
.Ltmp3:
0x43: {  	s15 =	sadd.s32 $0x400, s15;
	(pc) =	sbr.rel @p2 .LBB2_5-.Ltmp3, $3  }
0x44: {  	_ =	sdelay $0x1  }
0x45: {  	s23 =	sshra.s32 s22, $0x2  }
0x46: {  	s22 =	sadd.s32 s23, s0;
	s23 =	sadd.s32 $0x80, s23  }
0x47: {  	[tilespmem:s23], [sflag:$0x4] =	stream.linear.gather [spmem:s22], $0x80, $0x38;
	[tilespmem:$0x1EF00] =	vst v63  }
0x48: {  	_ =	swait.ge [sflag:s25], $0x1000  }
0x49: {  	p2 =	seq.s32 s4, $0x0;
	[sflag:s25] =	ssyncset.done $0x0  }
0x4a: {  	s0 =	simm.s32 @!p2 $0x3;
	[sflag:s25] =	ssyncadd.s32 $0xFFFFF000  }
0x4b: {  	_ =	swait.ge @!p2 [sflag:s0], $0x1000  }
0x4c: {  	[sflag:s0] =	ssyncset.done @!p2 $0x0  }
0x4d: {  	s31 =	simm.s32 $0x100;
	[sflag:s0] =	ssyncadd.s32 @!p2 $0xFFFFF000  }
0x4e: {  	v0 =	vld [tilespmem:s31+$0x70]  }
0x4f: {  	v1 =	vld [tilespmem:s31+$0xFFFFFF10]  }
0x50: {  	v2 =	vld [tilespmem:s31+$0xFFFFFF20]  }
0x51: {  	v3 =	vld [tilespmem:s31+$0xFFFFFF30]  }
0x52: {  	v4 =	vld [tilespmem:s31+$0xFFFFFF40]  }
0x53: {  	v5 =	vld [tilespmem:s31+$0xFFFFFF50]  }
0x54: {  	v6 =	vld [tilespmem:s31+$0xFFFFFF60]  }
0x55: {  	v7 =	vld [tilespmem:s31+$0xFFFFFF70]  }
0x56: {  	v8 =	vld [tilespmem:s31+$0x0]  }
0x57: {  	v9 =	vld [tilespmem:s31+$0x10]  }
0x58: {  	v10 =	vld [tilespmem:s31+$0x20]  }
0x59: {  	v11 =	vld [tilespmem:s31+$0x30]  }
0x5a: {  	v12 =	vld [tilespmem:s31+$0x40]  }
0x5b: {  	v13 =	vld [tilespmem:s31+$0x50]  }
0x5c: {  	v14 =	vld [tilespmem:s31+$0x60]  }
0x5d: {  	v15 =	vld [tilespmem:s31+$0xFFFFFF00]  }
0x5e: {  	v0 =	vld.idx.msk [tilespmem:v0+s21+$0x0], $0xffff  }
0x5f: {  	v1 =	vld.idx.msk [tilespmem:v1+s21+$0x0], $0xffff  }
0x60: {  	v2 =	vld.idx.msk [tilespmem:v2+s21+$0x0], $0xffff  }
0x61: {  	v3 =	vld.idx.msk [tilespmem:v3+s21+$0x0], $0xffff  }
0x62: {  	v4 =	vld.idx.msk [tilespmem:v4+s21+$0x0], $0xffff  }
0x63: {  	s15 =	simm.s32 $0x1A900;
	v16 =	vld.idx.msk [tilespmem:v5+s21+$0x0], $0xffff  }
0x64: {  	v8 =	vld.idx.msk [tilespmem:v8+s21+$0x0], $0xffff;
	[tilespmem:s15+$0x70] =	vst v0  }
0x65: {  	v5 =	vld.idx.msk [tilespmem:v9+s21+$0x0], $0xffff;
	[tilespmem:s15+$0xFFFFFE10] =	vst v1  }
0x66: {  	v0 =	vld.idx.msk [tilespmem:v6+s21+$0x0], $0xffff;
	[tilespmem:s15+$0xFFFFFE20] =	vst v2  }
0x67: {  	v6 =	vld.idx.msk [tilespmem:v7+s21+$0x0], $0xffff;
	[tilespmem:s15+$0xFFFFFE30] =	vst v3  }
0x68: {  	v7 =	vld.idx.msk [tilespmem:v15+s21+$0x0], $0xffff;
	[tilespmem:s15+$0xFFFFFE40] =	vst v4  }
0x69: {  	[tilespmem:s15+$0xFFFFFE50] =	vst v16;
	v1 =	vld.idx.msk [tilespmem:v10+s21+$0x0], $0xffff  }
0x6a: {  	v2 =	vld.idx.msk [tilespmem:v11+s21+$0x0], $0xffff;
	[tilespmem:s15+$0x0] =	vst v8  }
0x6b: {  	v3 =	vld.idx.msk [tilespmem:v12+s21+$0x0], $0xffff;
	[tilespmem:s15+$0xFFFFFE60] =	vst v0  }
0x6c: {  	v4 =	vld.idx.msk [tilespmem:v13+s21+$0x0], $0xffff;
	[tilespmem:s15+$0xFFFFFE70] =	vst v6  }
0x6d: {  	s22 =	simm.s32 $0x300;
	s0 =	simm.s32 $0x0;
	[tilespmem:s15+$0xFFFFFE00] =	vst v7;
	v0 =	vld.idx.msk [tilespmem:v14+s21+$0x0], $0xffff  }
.LBB2_7:
0x6e: {  	v6 =	vld [tilespmem:s22+$0x70];
	s0 =	sadd.s32 $0x100, s0;
	[tilespmem:s15+$0x10] =	vst v5  }
0x6f: {  	v5 =	vld [tilespmem:s22+$0xFFFFFF10];
	p3 =	slt.u32 s0, $0xF00;
	[tilespmem:s15+$0x20] =	vst v1  }
0x70: {  	v1 =	vld [tilespmem:s22+$0xFFFFFF20];
	[tilespmem:s15+$0x30] =	vst v2  }
0x71: {  	v2 =	vld [tilespmem:s22+$0xFFFFFF30];
	[tilespmem:s15+$0x40] =	vst v3  }
0x72: {  	v3 =	vld [tilespmem:s22+$0xFFFFFF40];
	[tilespmem:s15+$0x50] =	vst v4  }
0x73: {  	v4 =	vld [tilespmem:s22+$0xFFFFFF50];
	[tilespmem:s15+$0x60] =	vst v0  }
0x74: {  	v0 =	vld [tilespmem:s22+$0xFFFFFF60]  }
0x75: {  	v7 =	vld [tilespmem:s22+$0xFFFFFF70]  }
0x76: {  	v6 =	vld.idx.msk [tilespmem:v6+s21+$0x0], $0xffff  }
0x77: {  	v8 =	vld [tilespmem:s22+$0x0]  }
0x78: {  	v9 =	vld [tilespmem:s22+$0x10]  }
0x79: {  	v10 =	vld [tilespmem:s22+$0x20]  }
0x7a: {  	v11 =	vld [tilespmem:s22+$0x30]  }
0x7b: {  	s15 =	sadd.s32 $0x400, s15;
	v12 =	vld [tilespmem:s22+$0x40]  }
0x7c: {  	v13 =	vld [tilespmem:s22+$0x50];
	[tilespmem:s15+$0x70] =	vst v6  }
0x7d: {  	v6 =	vld [tilespmem:s22+$0x60]  }
0x7e: {  	v14 =	vld [tilespmem:s22+$0xFFFFFF00]  }
0x7f: {  	v5 =	vld.idx.msk [tilespmem:v5+s21+$0x0], $0xffff  }
0x80: {  	v1 =	vld.idx.msk [tilespmem:v1+s21+$0x0], $0xffff  }
0x81: {  	v2 =	vld.idx.msk [tilespmem:v2+s21+$0x0], $0xffff  }
0x82: {  	v3 =	vld.idx.msk [tilespmem:v3+s21+$0x0], $0xffff  }
0x83: {  	v4 =	vld.idx.msk [tilespmem:v4+s21+$0x0], $0xffff  }
0x84: {  	v0 =	vld.idx.msk [tilespmem:v0+s21+$0x0], $0xffff  }
0x85: {  	[tilespmem:s15+$0xFFFFFE10] =	vst v5;
	v7 =	vld.idx.msk [tilespmem:v7+s21+$0x0], $0xffff  }
0x86: {  	v14 =	vld.idx.msk [tilespmem:v14+s21+$0x0], $0xffff;
	[tilespmem:s15+$0xFFFFFE20] =	vst v1  }
0x87: {  	[tilespmem:s15+$0xFFFFFE30] =	vst v2;
	v8 =	vld.idx.msk [tilespmem:v8+s21+$0x0], $0xffff  }
0x88: {  	[tilespmem:s15+$0xFFFFFE40] =	vst v3;
	v5 =	vld.idx.msk [tilespmem:v9+s21+$0x0], $0xffff  }
.Ltmp4:
0x89: {  	[tilespmem:s15+$0xFFFFFE50] =	vst v4;
	v1 =	vld.idx.msk [tilespmem:v10+s21+$0x0], $0xffff;
	(pc) =	sbr.rel @p3 .LBB2_7-.Ltmp4, $4  }
0x8a: {  	[tilespmem:s15+$0xFFFFFE60] =	vst v0;
	v2 =	vld.idx.msk [tilespmem:v11+s21+$0x0], $0xffff  }
0x8b: {  	[tilespmem:s15+$0xFFFFFE70] =	vst v7;
	v3 =	vld.idx.msk [tilespmem:v12+s21+$0x0], $0xffff  }
0x8c: {  	[tilespmem:s15+$0xFFFFFE00] =	vst v14;
	v4 =	vld.idx.msk [tilespmem:v13+s21+$0x0], $0xffff  }
0x8d: {  	s22 =	sadd.s32 $0x200, s22;
	[tilespmem:s15+$0x0] =	vst v8;
	v0 =	vld.idx.msk [tilespmem:v6+s21+$0x0], $0xffff  }
0x8e: {  	[tilespmem:s15+$0x10] =	vst v5;
	s0 =	sshll.u32 s4, $0x13  }
0x8f: {  	[tilespmem:s15+$0x20] =	vst v1;
	s0 =	sor.u32 s0, s10  }
0x90: {  	[tilespmem:s15+$0x30] =	vst v2;
	s0 =	sor.u32 s7, s0  }
0x91: {  	[tilespmem:s15+$0x40] =	vst v3;
	s0 =	sshrl.u32 s0, $0x3  }
0x92: {  	s22 =	simm.s32 $0x0;
	s30 =	simm.s32 $0x1A700;
	[tilespmem:s15+$0x50] =	vst v4;
	s23 =	sadd.s32 s3, s0  }
0x93: {  	s31 =	simm.s32 $0x1A900;
	[tilespmem:s15+$0x60] =	vst v0;
	s15 =	simm.s32 $0x80;
	s26 =	sadd.s32 $0x0, s23  }
.LBB2_9:
0x94: {  	[hbm4b:s26+s22] =	stream.linear.scatter [tilespmem:s30], [sflag:$0x3], $0x80, $0x38;
	[tilespmem:$0x1EF00] =	vst v63  }
0x95: {  	s26 =	smov.u32 s15;
	s30 =	smov.u32 s31;
	p3 =	sne.s32 s15, $0xF80  }
.Ltmp5:
0x96: {  	s15 =	sadd.s32 $0x80, s15;
	(pc) =	sbr.rel @p3 .LBB2_9-.Ltmp5, $2  }
0x97: {  	_ =	sdelay $0x2  }
0x98: {  	s31 =	sadd.s32 $0x200, s31;
	s26 =	sadd.s32 s26, s23  }
0x99: {  	[hbm4b:s26+s22] =	stream.linear.scatter [tilespmem:s30], [sflag:$0x3], $0x80, $0x38;
	[tilespmem:$0x1EF00] =	vst v63  }
0x9a: {  	s15 =	simm.s32 $0x400;
	s22 =	simm.s32 $0x0;
	s23 =	sadd.s32 $0x0, s9  }
.LBB2_11:
0x9b: {  	[tilespmem:s22], [sflag:$0x4] =	stream.linear.gather [spmem:s23], $0x80, $0x38;
	[tilespmem:$0x1EF00] =	vst v63  }
0x9c: {  	s22 =	smov.u32 s15;
	p3 =	sne.s32 s15, $0x7C00  }
.Ltmp6:
0x9d: {  	s15 =	sadd.s32 $0x400, s15;
	(pc) =	sbr.rel @p3 .LBB2_11-.Ltmp6, $3  }
0x9e: {  	_ =	sdelay $0x1  }
0x9f: {  	s22 =	sshra.s32 s22, $0x2  }
0xa0: {  	s23 =	sadd.s32 s22, s9  }
0xa1: {  	[tilespmem:s22], [sflag:$0x4] =	stream.linear.gather [spmem:s23], $0x80, $0x38;
	[tilespmem:$0x1EF00] =	vst v63  }
0xa2: {  	_ =	swait.ge [sflag:s25], $0x1000  }
0xa3: {  	[sflag:s25] =	ssyncset.done $0x0  }
0xa4: {  	s9 =	simm.s32 @!p2 $0x3;
	[sflag:s25] =	ssyncadd.s32 $0xFFFFF000  }
0xa5: {  	_ =	swait.ge @!p2 [sflag:s9], $0x1000  }
0xa6: {  	[sflag:s9] =	ssyncset.done @!p2 $0x0  }
0xa7: {  	s31 =	simm.s32 $0x180;
	[sflag:s9] =	ssyncadd.s32 @!p2 $0xFFFFF000  }
0xa8: {  	v0 =	vld [tilespmem:s31+$0x70]  }
0xa9: {  	v1 =	vld [tilespmem:s31+$0xFFFFFF10]  }
0xaa: {  	v2 =	vld [tilespmem:s31+$0xFFFFFF20]  }
0xab: {  	v3 =	vld [tilespmem:s31+$0xFFFFFF30]  }
0xac: {  	v4 =	vld [tilespmem:s31+$0xFFFFFF40]  }
0xad: {  	v5 =	vld [tilespmem:s31+$0xFFFFFF50]  }
0xae: {  	v6 =	vld [tilespmem:s31+$0xFFFFFF60]  }
0xaf: {  	v7 =	vld [tilespmem:s31+$0xFFFFFF70]  }
0xb0: {  	v8 =	vld [tilespmem:s31+$0x0]  }
0xb1: {  	v9 =	vld [tilespmem:s31+$0x10]  }
0xb2: {  	v10 =	vld [tilespmem:s31+$0x20]  }
0xb3: {  	v11 =	vld [tilespmem:s31+$0x30]  }
0xb4: {  	v12 =	vld [tilespmem:s31+$0x40]  }
0xb5: {  	v13 =	vld [tilespmem:s31+$0x50]  }
0xb6: {  	v14 =	vld [tilespmem:s31+$0x60]  }
0xb7: {  	v15 =	vld [tilespmem:s31+$0xFFFFFF00]  }
0xb8: {  	v0 =	vld.idx.msk [tilespmem:v0+s21+$0x0], $0xffff  }
0xb9: {  	v1 =	vld.idx.msk [tilespmem:v1+s21+$0x0], $0xffff  }
0xba: {  	v2 =	vld.idx.msk [tilespmem:v2+s21+$0x0], $0xffff  }
0xbb: {  	v3 =	vld.idx.msk [tilespmem:v3+s21+$0x0], $0xffff  }
0xbc: {  	v4 =	vld.idx.msk [tilespmem:v4+s21+$0x0], $0xffff  }
0xbd: {  	s9 =	simm.s32 $0x1A980;
	v5 =	vld.idx.msk [tilespmem:v5+s21+$0x0], $0xffff  }
0xbe: {  	v6 =	vld.idx.msk [tilespmem:v6+s21+$0x0], $0xffff;
	[tilespmem:s9+$0x70] =	vst v0  }
0xbf: {  	v7 =	vld.idx.msk [tilespmem:v7+s21+$0x0], $0xffff;
	[tilespmem:s9+$0xFFFFFE10] =	vst v1  }
0xc0: {  	v15 =	vld.idx.msk [tilespmem:v15+s21+$0x0], $0xffff;
	[tilespmem:s9+$0xFFFFFE20] =	vst v2  }
0xc1: {  	v8 =	vld.idx.msk [tilespmem:v8+s21+$0x0], $0xffff;
	[tilespmem:s9+$0xFFFFFE30] =	vst v3  }
0xc2: {  	[tilespmem:s9+$0xFFFFFE40] =	vst v4;
	v0 =	vld.idx.msk [tilespmem:v9+s21+$0x0], $0xffff  }
0xc3: {  	[tilespmem:s9+$0xFFFFFE50] =	vst v5;
	v1 =	vld.idx.msk [tilespmem:v10+s21+$0x0], $0xffff  }
0xc4: {  	[tilespmem:s9+$0xFFFFFE60] =	vst v6;
	v2 =	vld.idx.msk [tilespmem:v11+s21+$0x0], $0xffff  }
0xc5: {  	[tilespmem:s9+$0xFFFFFE70] =	vst v7;
	v3 =	vld.idx.msk [tilespmem:v12+s21+$0x0], $0xffff  }
0xc6: {  	[tilespmem:s9+$0xFFFFFE00] =	vst v15;
	v5 =	vld.idx.msk [tilespmem:v13+s21+$0x0], $0xffff  }
0xc7: {  	s15 =	simm.s32 $0x0;
	s22 =	simm.s32 $0x380;
	[tilespmem:s9+$0x0] =	vst v8;
	v4 =	vld.idx.msk [tilespmem:v14+s21+$0x0], $0xffff  }
.LBB2_13:
0xc8: {  	v6 =	vld [tilespmem:s22+$0x70];
	s15 =	sadd.s32 $0x100, s15;
	[tilespmem:s9+$0x10] =	vst v0  }
0xc9: {  	v0 =	vld [tilespmem:s22+$0xFFFFFF10];
	p3 =	slt.u32 s15, $0xF00;
	[tilespmem:s9+$0x20] =	vst v1  }
0xca: {  	v1 =	vld [tilespmem:s22+$0xFFFFFF20];
	[tilespmem:s9+$0x30] =	vst v2  }
0xcb: {  	v2 =	vld [tilespmem:s22+$0xFFFFFF30];
	[tilespmem:s9+$0x40] =	vst v3  }
0xcc: {  	v3 =	vld [tilespmem:s22+$0xFFFFFF40];
	[tilespmem:s9+$0x50] =	vst v5  }
0xcd: {  	v5 =	vld [tilespmem:s22+$0xFFFFFF50];
	[tilespmem:s9+$0x60] =	vst v4  }
0xce: {  	v4 =	vld [tilespmem:s22+$0xFFFFFF60]  }
0xcf: {  	v7 =	vld [tilespmem:s22+$0xFFFFFF70]  }
0xd0: {  	v6 =	vld.idx.msk [tilespmem:v6+s21+$0x0], $0xffff  }
0xd1: {  	v8 =	vld [tilespmem:s22+$0x0]  }
0xd2: {  	v9 =	vld [tilespmem:s22+$0x10]  }
0xd3: {  	v10 =	vld [tilespmem:s22+$0x20]  }
0xd4: {  	v11 =	vld [tilespmem:s22+$0x30]  }
0xd5: {  	s9 =	sadd.s32 $0x400, s9;
	v12 =	vld [tilespmem:s22+$0x40]  }
0xd6: {  	v13 =	vld [tilespmem:s22+$0x50];
	[tilespmem:s9+$0x70] =	vst v6  }
0xd7: {  	v6 =	vld [tilespmem:s22+$0x60]  }
0xd8: {  	v14 =	vld [tilespmem:s22+$0xFFFFFF00]  }
0xd9: {  	v0 =	vld.idx.msk [tilespmem:v0+s21+$0x0], $0xffff  }
0xda: {  	v1 =	vld.idx.msk [tilespmem:v1+s21+$0x0], $0xffff  }
0xdb: {  	v2 =	vld.idx.msk [tilespmem:v2+s21+$0x0], $0xffff  }
0xdc: {  	v3 =	vld.idx.msk [tilespmem:v3+s21+$0x0], $0xffff  }
0xdd: {  	v5 =	vld.idx.msk [tilespmem:v5+s21+$0x0], $0xffff  }
0xde: {  	v4 =	vld.idx.msk [tilespmem:v4+s21+$0x0], $0xffff  }
0xdf: {  	[tilespmem:s9+$0xFFFFFE10] =	vst v0;
	v7 =	vld.idx.msk [tilespmem:v7+s21+$0x0], $0xffff  }
0xe0: {  	v14 =	vld.idx.msk [tilespmem:v14+s21+$0x0], $0xffff;
	[tilespmem:s9+$0xFFFFFE20] =	vst v1  }
0xe1: {  	[tilespmem:s9+$0xFFFFFE30] =	vst v2;
	v8 =	vld.idx.msk [tilespmem:v8+s21+$0x0], $0xffff  }
0xe2: {  	[tilespmem:s9+$0xFFFFFE40] =	vst v3;
	v0 =	vld.idx.msk [tilespmem:v9+s21+$0x0], $0xffff  }
.Ltmp7:
0xe3: {  	[tilespmem:s9+$0xFFFFFE50] =	vst v5;
	v1 =	vld.idx.msk [tilespmem:v10+s21+$0x0], $0xffff;
	(pc) =	sbr.rel @p3 .LBB2_13-.Ltmp7, $4  }
0xe4: {  	[tilespmem:s9+$0xFFFFFE60] =	vst v4;
	v2 =	vld.idx.msk [tilespmem:v11+s21+$0x0], $0xffff  }
0xe5: {  	[tilespmem:s9+$0xFFFFFE70] =	vst v7;
	v3 =	vld.idx.msk [tilespmem:v12+s21+$0x0], $0xffff  }
0xe6: {  	[tilespmem:s9+$0xFFFFFE00] =	vst v14;
	v5 =	vld.idx.msk [tilespmem:v13+s21+$0x0], $0xffff  }
0xe7: {  	s22 =	sadd.s32 $0x200, s22;
	[tilespmem:s9+$0x0] =	vst v8;
	v4 =	vld.idx.msk [tilespmem:v6+s21+$0x0], $0xffff  }
0xe8: {  	[tilespmem:s9+$0x10] =	vst v0  }
0xe9: {  	[tilespmem:s9+$0x20] =	vst v1  }
0xea: {  	[tilespmem:s9+$0x30] =	vst v2  }
0xeb: {  	[tilespmem:s9+$0x40] =	vst v3  }
0xec: {  	s22 =	sadd.s32 s0, s11;
	s15 =	simm.s32 $0x0;
	s23 =	simm.s32 $0x1A780;
	[tilespmem:s9+$0x50] =	vst v5  }
0xed: {  	s30 =	simm.s32 $0x1A980;
	s26 =	sadd.s32 $0x0, s22;
	[tilespmem:s9+$0x60] =	vst v4;
	s9 =	simm.s32 $0x80  }
.LBB2_15:
0xee: {  	[hbm4b:s26+s15] =	stream.linear.scatter [tilespmem:s23], [sflag:$0x3], $0x80, $0x38;
	[tilespmem:$0x1EF00] =	vst v63  }
0xef: {  	s26 =	smov.u32 s9;
	s23 =	smov.u32 s30;
	p3 =	sne.s32 s9, $0xF80  }
.Ltmp8:
0xf0: {  	s9 =	sadd.s32 $0x80, s9;
	(pc) =	sbr.rel @p3 .LBB2_15-.Ltmp8, $2  }
0xf1: {  	_ =	sdelay $0x2  }
0xf2: {  	s30 =	sadd.s32 $0x200, s30;
	s26 =	sadd.s32 s26, s22  }
0xf3: {  	[hbm4b:s26+s15] =	stream.linear.scatter [tilespmem:s23], [sflag:$0x3], $0x80, $0x38;
	[tilespmem:$0x1EF00] =	vst v63  }
0xf4: {  	s9 =	simm.s32 $0x400;
	s15 =	sadd.s32 $0x0, s8;
	s22 =	simm.s32 $0x80  }
.LBB2_17:
0xf5: {  	[tilespmem:s22], [sflag:$0x4] =	stream.linear.gather [spmem:s15], $0x80, $0x38;
	[tilespmem:$0x1EF00] =	vst v63  }
0xf6: {  	s15 =	smov.u32 s9;
	p3 =	sne.s32 s9, $0x7C00  }
.Ltmp9:
0xf7: {  	s9 =	sadd.s32 $0x400, s9;
	(pc) =	sbr.rel @p3 .LBB2_17-.Ltmp9, $3  }
0xf8: {  	_ =	sdelay $0x1  }
0xf9: {  	s22 =	sshra.s32 s15, $0x2  }
0xfa: {  	s15 =	sadd.s32 s22, s8;
	s22 =	sadd.s32 $0x80, s22  }
0xfb: {  	[tilespmem:s22], [sflag:$0x4] =	stream.linear.gather [spmem:s15], $0x80, $0x38;
	[tilespmem:$0x1EF00] =	vst v63  }
0xfc: {  	_ =	swait.ge [sflag:s25], $0x1000  }
0xfd: {  	[sflag:s25] =	ssyncset.done $0x0  }
0xfe: {  	s8 =	simm.s32 @!p2 $0x3;
	[sflag:s25] =	ssyncadd.s32 $0xFFFFF000  }
0xff: {  	_ =	swait.ge @!p2 [sflag:s8], $0x1000  }
0x100: {  	[sflag:s8] =	ssyncset.done @!p2 $0x0  }
0x101: {  	s31 =	simm.s32 $0x100;
	[sflag:s8] =	ssyncadd.s32 @!p2 $0xFFFFF000  }
0x102: {  	v0 =	vld [tilespmem:s31+$0x70]  }
0x103: {  	v1 =	vld [tilespmem:s31+$0xFFFFFF10]  }
0x104: {  	v2 =	vld [tilespmem:s31+$0xFFFFFF20]  }
0x105: {  	v3 =	vld [tilespmem:s31+$0xFFFFFF30]  }
0x106: {  	v4 =	vld [tilespmem:s31+$0xFFFFFF40]  }
0x107: {  	v5 =	vld [tilespmem:s31+$0xFFFFFF50]  }
0x108: {  	v6 =	vld [tilespmem:s31+$0xFFFFFF60]  }
0x109: {  	v7 =	vld [tilespmem:s31+$0xFFFFFF70]  }
0x10a: {  	v8 =	vld [tilespmem:s31+$0x0]  }
0x10b: {  	v9 =	vld [tilespmem:s31+$0x10]  }
0x10c: {  	v10 =	vld [tilespmem:s31+$0x20]  }
0x10d: {  	v11 =	vld [tilespmem:s31+$0x30]  }
0x10e: {  	v12 =	vld [tilespmem:s31+$0x40]  }
0x10f: {  	v13 =	vld [tilespmem:s31+$0x50]  }
0x110: {  	v14 =	vld [tilespmem:s31+$0x60]  }
0x111: {  	v15 =	vld [tilespmem:s31+$0xFFFFFF00]  }
0x112: {  	v0 =	vld.idx.msk [tilespmem:v0+s21+$0x0], $0xffff  }
0x113: {  	v1 =	vld.idx.msk [tilespmem:v1+s21+$0x0], $0xffff  }
0x114: {  	v2 =	vld.idx.msk [tilespmem:v2+s21+$0x0], $0xffff  }
0x115: {  	v3 =	vld.idx.msk [tilespmem:v3+s21+$0x0], $0xffff  }
0x116: {  	v4 =	vld.idx.msk [tilespmem:v4+s21+$0x0], $0xffff  }
0x117: {  	s8 =	simm.s32 $0x1AA00;
	v5 =	vld.idx.msk [tilespmem:v5+s21+$0x0], $0xffff  }
0x118: {  	v6 =	vld.idx.msk [tilespmem:v6+s21+$0x0], $0xffff;
	[tilespmem:s8+$0x70] =	vst v0  }
0x119: {  	v7 =	vld.idx.msk [tilespmem:v7+s21+$0x0], $0xffff;
	[tilespmem:s8+$0xFFFFFE10] =	vst v1  }
0x11a: {  	v15 =	vld.idx.msk [tilespmem:v15+s21+$0x0], $0xffff;
	[tilespmem:s8+$0xFFFFFE20] =	vst v2  }
0x11b: {  	v8 =	vld.idx.msk [tilespmem:v8+s21+$0x0], $0xffff;
	[tilespmem:s8+$0xFFFFFE30] =	vst v3  }
0x11c: {  	[tilespmem:s8+$0xFFFFFE40] =	vst v4;
	v0 =	vld.idx.msk [tilespmem:v9+s21+$0x0], $0xffff  }
0x11d: {  	[tilespmem:s8+$0xFFFFFE50] =	vst v5;
	v1 =	vld.idx.msk [tilespmem:v10+s21+$0x0], $0xffff  }
0x11e: {  	[tilespmem:s8+$0xFFFFFE60] =	vst v6;
	v2 =	vld.idx.msk [tilespmem:v11+s21+$0x0], $0xffff  }
0x11f: {  	[tilespmem:s8+$0xFFFFFE70] =	vst v7;
	v3 =	vld.idx.msk [tilespmem:v12+s21+$0x0], $0xffff  }
0x120: {  	[tilespmem:s8+$0xFFFFFE00] =	vst v15;
	v4 =	vld.idx.msk [tilespmem:v13+s21+$0x0], $0xffff  }
0x121: {  	s9 =	simm.s32 $0x0;
	s15 =	simm.s32 $0x300;
	[tilespmem:s8+$0x0] =	vst v8;
	v5 =	vld.idx.msk [tilespmem:v14+s21+$0x0], $0xffff  }
.LBB2_19:
0x122: {  	v6 =	vld [tilespmem:s15+$0x70];
	s9 =	sadd.s32 $0x100, s9;
	[tilespmem:s8+$0x10] =	vst v0  }
0x123: {  	v0 =	vld [tilespmem:s15+$0xFFFFFF10];
	p3 =	slt.u32 s9, $0xF00;
	[tilespmem:s8+$0x20] =	vst v1  }
0x124: {  	v1 =	vld [tilespmem:s15+$0xFFFFFF20];
	[tilespmem:s8+$0x30] =	vst v2  }
0x125: {  	v2 =	vld [tilespmem:s15+$0xFFFFFF30];
	[tilespmem:s8+$0x40] =	vst v3  }
0x126: {  	v3 =	vld [tilespmem:s15+$0xFFFFFF40];
	[tilespmem:s8+$0x50] =	vst v4  }
0x127: {  	v4 =	vld [tilespmem:s15+$0xFFFFFF50];
	[tilespmem:s8+$0x60] =	vst v5  }
0x128: {  	v5 =	vld [tilespmem:s15+$0xFFFFFF60]  }
0x129: {  	v7 =	vld [tilespmem:s15+$0xFFFFFF70]  }
0x12a: {  	v6 =	vld.idx.msk [tilespmem:v6+s21+$0x0], $0xffff  }
0x12b: {  	v8 =	vld [tilespmem:s15+$0x0]  }
0x12c: {  	v9 =	vld [tilespmem:s15+$0x10]  }
0x12d: {  	v10 =	vld [tilespmem:s15+$0x20]  }
0x12e: {  	v11 =	vld [tilespmem:s15+$0x30]  }
0x12f: {  	s8 =	sadd.s32 $0x400, s8;
	v12 =	vld [tilespmem:s15+$0x40]  }
0x130: {  	v13 =	vld [tilespmem:s15+$0x50];
	[tilespmem:s8+$0x70] =	vst v6  }
0x131: {  	v6 =	vld [tilespmem:s15+$0x60]  }
0x132: {  	v14 =	vld [tilespmem:s15+$0xFFFFFF00]  }
0x133: {  	v0 =	vld.idx.msk [tilespmem:v0+s21+$0x0], $0xffff  }
0x134: {  	v1 =	vld.idx.msk [tilespmem:v1+s21+$0x0], $0xffff  }
0x135: {  	v2 =	vld.idx.msk [tilespmem:v2+s21+$0x0], $0xffff  }
0x136: {  	v3 =	vld.idx.msk [tilespmem:v3+s21+$0x0], $0xffff  }
0x137: {  	v4 =	vld.idx.msk [tilespmem:v4+s21+$0x0], $0xffff  }
0x138: {  	v5 =	vld.idx.msk [tilespmem:v5+s21+$0x0], $0xffff  }
0x139: {  	[tilespmem:s8+$0xFFFFFE10] =	vst v0;
	v7 =	vld.idx.msk [tilespmem:v7+s21+$0x0], $0xffff  }
0x13a: {  	v14 =	vld.idx.msk [tilespmem:v14+s21+$0x0], $0xffff;
	[tilespmem:s8+$0xFFFFFE20] =	vst v1  }
0x13b: {  	[tilespmem:s8+$0xFFFFFE30] =	vst v2;
	v8 =	vld.idx.msk [tilespmem:v8+s21+$0x0], $0xffff  }
0x13c: {  	[tilespmem:s8+$0xFFFFFE40] =	vst v3;
	v0 =	vld.idx.msk [tilespmem:v9+s21+$0x0], $0xffff  }
.Ltmp10:
0x13d: {  	[tilespmem:s8+$0xFFFFFE50] =	vst v4;
	v1 =	vld.idx.msk [tilespmem:v10+s21+$0x0], $0xffff;
	(pc) =	sbr.rel @p3 .LBB2_19-.Ltmp10, $4  }
0x13e: {  	[tilespmem:s8+$0xFFFFFE60] =	vst v5;
	v2 =	vld.idx.msk [tilespmem:v11+s21+$0x0], $0xffff  }
0x13f: {  	[tilespmem:s8+$0xFFFFFE70] =	vst v7;
	v3 =	vld.idx.msk [tilespmem:v12+s21+$0x0], $0xffff  }
0x140: {  	[tilespmem:s8+$0xFFFFFE00] =	vst v14;
	v4 =	vld.idx.msk [tilespmem:v13+s21+$0x0], $0xffff  }
0x141: {  	s15 =	sadd.s32 $0x200, s15;
	[tilespmem:s8+$0x0] =	vst v8;
	v5 =	vld.idx.msk [tilespmem:v6+s21+$0x0], $0xffff  }
0x142: {  	[tilespmem:s8+$0x10] =	vst v0  }
0x143: {  	[tilespmem:s8+$0x20] =	vst v1  }
0x144: {  	[tilespmem:s8+$0x30] =	vst v2  }
0x145: {  	[tilespmem:s8+$0x40] =	vst v3  }
0x146: {  	s9 =	sadd.s32 s0, s12;
	s15 =	simm.s32 $0x1A800;
	[tilespmem:s8+$0x50] =	vst v4  }
0x147: {  	s22 =	simm.s32 $0x1AA00;
	s23 =	sadd.s32 $0x0, s9;
	[tilespmem:s8+$0x60] =	vst v5;
	s8 =	simm.s32 $0x80  }
.LBB2_21:
0x148: {  	[hbm4b:s23+s6] =	stream.linear.scatter [tilespmem:s15], [sflag:$0x3], $0x80, $0x38;
	[tilespmem:$0x1EF00] =	vst v63  }
0x149: {  	s23 =	smov.u32 s8;
	s15 =	smov.u32 s22;
	p3 =	sne.s32 s8, $0xF80  }
.Ltmp11:
0x14a: {  	s8 =	sadd.s32 $0x80, s8;
	(pc) =	sbr.rel @p3 .LBB2_21-.Ltmp11, $2  }
0x14b: {  	_ =	sdelay $0x2  }
0x14c: {  	s22 =	sadd.s32 $0x200, s22;
	s23 =	sadd.s32 s23, s9  }
0x14d: {  	[hbm4b:s23+s6] =	stream.linear.scatter [tilespmem:s15], [sflag:$0x3], $0x80, $0x38;
	[tilespmem:$0x1EF00] =	vst v63  }
0x14e: {  	_ =	swait.ge [sflag:s25], $0x1000  }
0x14f: {  	[sflag:s25] =	ssyncset.done $0x0  }
0x150: {  	s8 =	simm.s32 @!p2 $0x3;
	[sflag:s25] =	ssyncadd.s32 $0xFFFFF000  }
0x151: {  	_ =	swait.ge @!p2 [sflag:s8], $0x1000  }
0x152: {  	[sflag:s8] =	ssyncset.done @!p2 $0x0  }
0x153: {  	s31 =	simm.s32 $0x180;
	[sflag:s8] =	ssyncadd.s32 @!p2 $0xFFFFF000  }
0x154: {  	v0 =	vld [tilespmem:s31+$0x70]  }
0x155: {  	v1 =	vld [tilespmem:s31+$0xFFFFFF10]  }
0x156: {  	v2 =	vld [tilespmem:s31+$0xFFFFFF20]  }
0x157: {  	v3 =	vld [tilespmem:s31+$0xFFFFFF30]  }
0x158: {  	v4 =	vld [tilespmem:s31+$0xFFFFFF40]  }
0x159: {  	v5 =	vld [tilespmem:s31+$0xFFFFFF50]  }
0x15a: {  	v6 =	vld [tilespmem:s31+$0xFFFFFF60]  }
0x15b: {  	v7 =	vld [tilespmem:s31+$0xFFFFFF70]  }
0x15c: {  	v8 =	vld [tilespmem:s31+$0x0]  }
0x15d: {  	v9 =	vld [tilespmem:s31+$0x10]  }
0x15e: {  	v10 =	vld [tilespmem:s31+$0x20]  }
0x15f: {  	v11 =	vld [tilespmem:s31+$0x30]  }
0x160: {  	v12 =	vld [tilespmem:s31+$0x40]  }
0x161: {  	v13 =	vld [tilespmem:s31+$0x50]  }
0x162: {  	v14 =	vld [tilespmem:s31+$0x60]  }
0x163: {  	v15 =	vld [tilespmem:s31+$0xFFFFFF00]  }
0x164: {  	v0 =	vld.idx.msk [tilespmem:v0+s21+$0x0], $0xffff  }
0x165: {  	v1 =	vld.idx.msk [tilespmem:v1+s21+$0x0], $0xffff  }
0x166: {  	v2 =	vld.idx.msk [tilespmem:v2+s21+$0x0], $0xffff  }
0x167: {  	v3 =	vld.idx.msk [tilespmem:v3+s21+$0x0], $0xffff  }
0x168: {  	v4 =	vld.idx.msk [tilespmem:v4+s21+$0x0], $0xffff  }
0x169: {  	s8 =	simm.s32 $0x1AA80;
	v5 =	vld.idx.msk [tilespmem:v5+s21+$0x0], $0xffff  }
0x16a: {  	v6 =	vld.idx.msk [tilespmem:v6+s21+$0x0], $0xffff;
	[tilespmem:s8+$0x70] =	vst v0  }
0x16b: {  	v7 =	vld.idx.msk [tilespmem:v7+s21+$0x0], $0xffff;
	[tilespmem:s8+$0xFFFFFE10] =	vst v1  }
0x16c: {  	v15 =	vld.idx.msk [tilespmem:v15+s21+$0x0], $0xffff;
	[tilespmem:s8+$0xFFFFFE20] =	vst v2  }
0x16d: {  	v8 =	vld.idx.msk [tilespmem:v8+s21+$0x0], $0xffff;
	[tilespmem:s8+$0xFFFFFE30] =	vst v3  }
0x16e: {  	[tilespmem:s8+$0xFFFFFE40] =	vst v4;
	v1 =	vld.idx.msk [tilespmem:v9+s21+$0x0], $0xffff  }
0x16f: {  	[tilespmem:s8+$0xFFFFFE50] =	vst v5;
	v0 =	vld.idx.msk [tilespmem:v10+s21+$0x0], $0xffff  }
0x170: {  	[tilespmem:s8+$0xFFFFFE60] =	vst v6;
	v2 =	vld.idx.msk [tilespmem:v11+s21+$0x0], $0xffff  }
0x171: {  	[tilespmem:s8+$0xFFFFFE70] =	vst v7;
	v3 =	vld.idx.msk [tilespmem:v12+s21+$0x0], $0xffff  }
0x172: {  	[tilespmem:s8+$0xFFFFFE00] =	vst v15;
	v4 =	vld.idx.msk [tilespmem:v13+s21+$0x0], $0xffff  }
0x173: {  	s9 =	simm.s32 $0x0;
	s15 =	simm.s32 $0x380;
	[tilespmem:s8+$0x0] =	vst v8;
	v5 =	vld.idx.msk [tilespmem:v14+s21+$0x0], $0xffff  }
.LBB2_23:
0x174: {  	v6 =	vld [tilespmem:s15+$0x70];
	s9 =	sadd.s32 $0x100, s9;
	[tilespmem:s8+$0x10] =	vst v1  }
0x175: {  	v1 =	vld [tilespmem:s15+$0xFFFFFF10];
	p2 =	slt.u32 s9, $0xF00;
	[tilespmem:s8+$0x20] =	vst v0  }
0x176: {  	v0 =	vld [tilespmem:s15+$0xFFFFFF20];
	[tilespmem:s8+$0x30] =	vst v2  }
0x177: {  	v2 =	vld [tilespmem:s15+$0xFFFFFF30];
	[tilespmem:s8+$0x40] =	vst v3  }
0x178: {  	v3 =	vld [tilespmem:s15+$0xFFFFFF40];
	[tilespmem:s8+$0x50] =	vst v4  }
0x179: {  	v4 =	vld [tilespmem:s15+$0xFFFFFF50];
	[tilespmem:s8+$0x60] =	vst v5  }
0x17a: {  	v5 =	vld [tilespmem:s15+$0xFFFFFF60]  }
0x17b: {  	v7 =	vld [tilespmem:s15+$0xFFFFFF70]  }
0x17c: {  	v6 =	vld.idx.msk [tilespmem:v6+s21+$0x0], $0xffff  }
0x17d: {  	v8 =	vld [tilespmem:s15+$0x0]  }
0x17e: {  	v9 =	vld [tilespmem:s15+$0x10]  }
0x17f: {  	v10 =	vld [tilespmem:s15+$0x20]  }
0x180: {  	v11 =	vld [tilespmem:s15+$0x30]  }
0x181: {  	s8 =	sadd.s32 $0x400, s8;
	v12 =	vld [tilespmem:s15+$0x40]  }
0x182: {  	v13 =	vld [tilespmem:s15+$0x50];
	[tilespmem:s8+$0x70] =	vst v6  }
0x183: {  	v6 =	vld [tilespmem:s15+$0x60]  }
0x184: {  	v14 =	vld [tilespmem:s15+$0xFFFFFF00]  }
0x185: {  	v1 =	vld.idx.msk [tilespmem:v1+s21+$0x0], $0xffff  }
0x186: {  	v0 =	vld.idx.msk [tilespmem:v0+s21+$0x0], $0xffff  }
0x187: {  	v2 =	vld.idx.msk [tilespmem:v2+s21+$0x0], $0xffff  }
0x188: {  	v3 =	vld.idx.msk [tilespmem:v3+s21+$0x0], $0xffff  }
0x189: {  	v4 =	vld.idx.msk [tilespmem:v4+s21+$0x0], $0xffff  }
0x18a: {  	v5 =	vld.idx.msk [tilespmem:v5+s21+$0x0], $0xffff  }
0x18b: {  	[tilespmem:s8+$0xFFFFFE10] =	vst v1;
	v7 =	vld.idx.msk [tilespmem:v7+s21+$0x0], $0xffff  }
0x18c: {  	v14 =	vld.idx.msk [tilespmem:v14+s21+$0x0], $0xffff;
	[tilespmem:s8+$0xFFFFFE20] =	vst v0  }
0x18d: {  	[tilespmem:s8+$0xFFFFFE30] =	vst v2;
	v8 =	vld.idx.msk [tilespmem:v8+s21+$0x0], $0xffff  }
0x18e: {  	[tilespmem:s8+$0xFFFFFE40] =	vst v3;
	v1 =	vld.idx.msk [tilespmem:v9+s21+$0x0], $0xffff  }
.Ltmp12:
0x18f: {  	[tilespmem:s8+$0xFFFFFE50] =	vst v4;
	v0 =	vld.idx.msk [tilespmem:v10+s21+$0x0], $0xffff;
	(pc) =	sbr.rel @p2 .LBB2_23-.Ltmp12, $4  }
0x190: {  	[tilespmem:s8+$0xFFFFFE60] =	vst v5;
	v2 =	vld.idx.msk [tilespmem:v11+s21+$0x0], $0xffff  }
0x191: {  	[tilespmem:s8+$0xFFFFFE70] =	vst v7;
	v3 =	vld.idx.msk [tilespmem:v12+s21+$0x0], $0xffff  }
0x192: {  	[tilespmem:s8+$0xFFFFFE00] =	vst v14;
	v4 =	vld.idx.msk [tilespmem:v13+s21+$0x0], $0xffff  }
0x193: {  	s15 =	sadd.s32 $0x200, s15;
	[tilespmem:s8+$0x0] =	vst v8;
	v5 =	vld.idx.msk [tilespmem:v6+s21+$0x0], $0xffff  }
0x194: {  	s9 =	sadd.s32 $0x1, s4;
	p2 =	seq.s32 s4, $0x19  }
0x195: {  	s15 =	sshll.u32 @!p2 s9, $0x5  }
0x196: {  	s15 =	sor.u32 @!p2 s2, s15  }
0x197: {  	[tilespmem:s8+$0x10] =	vst v1;
	s15 =	sshrl.u32 @!p2 s15, $0x3  }
0x198: {  	[tilespmem:s8+$0x20] =	vst v0;
	s15 =	smul.u32 @!p2 $0xC3800, s15  }
0x199: {  	[tilespmem:s8+$0x30] =	vst v2  }
0x19a: {  	[tilespmem:s8+$0x40] =	vst v3;
	s15 =	sor.u32 @!p2 s7, s15  }
0x19b: {  	s22 =	simm.s32 @!p2 $0x400;
	[tilespmem:s8+$0x50] =	vst v4;
	s15 =	sshrl.u32 @!p2 s15, $0x3  }
0x19c: {  	s23 =	simm.s32 @!p2 $0x2000;
	[tilespmem:s8+$0x60] =	vst v5;
	s8 =	simm.s32 @!p2 $0x80;
	s15 =	sadd.s32 @!p2 s1, s15  }
0x19d: {  	[tilespmem:s23], [sflag:$0x1] =	stream.strided.gather @!p2 [hbm4b:s15+s8], $0x18700, s22, s8, $0x38;
	[tilespmem:$0x1EF00] =	vst v63  }
0x19e: {  	s0 =	sadd.s32 s0, s13;
	s8 =	simm.s32 $0x1A880  }
0x19f: {  	s15 =	simm.s32 $0x80;
	s23 =	sadd.s32 $0x0, s0;
	s22 =	simm.s32 $0x1AA80  }
.LBB2_25:
0x1a0: {  	[hbm4b:s23+s6] =	stream.linear.scatter [tilespmem:s8], [sflag:$0x3], $0x80, $0x38;
	[tilespmem:$0x1EF00] =	vst v63  }
0x1a1: {  	s23 =	smov.u32 s15;
	s8 =	smov.u32 s22;
	p3 =	sne.s32 s15, $0xF80  }
.Ltmp13:
0x1a2: {  	s15 =	sadd.s32 $0x80, s15;
	(pc) =	sbr.rel @p3 .LBB2_25-.Ltmp13, $2  }
0x1a3: {  	_ =	sdelay $0x2  }
0x1a4: {  	s22 =	sadd.s32 $0x200, s22;
	s23 =	sadd.s32 s23, s0  }
0x1a5: {  	[hbm4b:s23+s6] =	stream.linear.scatter [tilespmem:s8], [sflag:$0x3], $0x80, $0x38;
	[tilespmem:$0x1EF00] =	vst v63  }
0x1a6: {  	p3 =	seq.s32 @!p0 s4, $0x19  }
0x1a7: {  	p3 =	por p3, p0  }
0x1a8: {  	s0 =	simm.s32 @!p3 $0x2  }
0x1a9: {  	_ =	swait.ge @!p3 [sflag:s0], $0x800  }
0x1aa: {  	p4 =	sgt.u32 @!p0 s4, $0x17;
	[sflag:s0] =	ssyncset.done @!p3 $0x0  }
0x1ab: {  	[sflag:s0] =	ssyncadd.s32 @!p3 $0xFFFFF800;
	p3 =	por p0, p4  }
.Ltmp14:
0x1ac: {  	_ = 	snop;
	(pc) =	sbr.rel @p3 .LBB2_28-.Ltmp14, $2  }
0x1ad: {  	_ =	sdelay $0x1  }
0x1ae: {  	[bflag:$0x0] =	sbarrier.arrive $0xFFFF;
	_ =	sdelay $0x1  }
.Ltmp15:
0x1af: {  	(pc) =	sbr.rel .LBB2_29-.Ltmp15, $4  }
0x1b0: {  	_ = 	snop  }
0x1b1: {  	s0 =	sshll.u32 s4, $0xB  }
0x1b2: {  	s31 =	sshrl.u32 s20, $0x3;
	s8 =	simm.s32 $0x20;
	s0 =	sadd.s32 s0, s14  }
0x1b3: {  	[spmem:s31@s8], [sflag:s29] =	dma.strided [hbm:s0@s28], $0x800, s24, $0x10   }
.LBB2_28:
.Ltmp16:
0x1b4: {  	(pc) =	sbr.rel @p2 .LBB2_32-.Ltmp16, $1  }
0x1b5: {  	_ =	sdelay $0x3  }
.LBB2_29:
0x1b6: {  	s0 =	sxor.u32 $0x80, s19  }
0x1b7: {  	s0 =	sadd.s32 s0, s5  }
0x1b8: {  	s4 =	simm.s32 $0x400;
	s8 =	simm.s32 $0x0;
	s15 =	sadd.s32 $0x0, s0  }
.LBB2_30:
0x1b9: {  	[tilespmem:s8], [sflag:$0x4] =	stream.linear.gather [spmem:s15], $0x80, $0x38;
	[tilespmem:$0x1EF00] =	vst v63  }
0x1ba: {  	s8 =	smov.u32 s4;
	p2 =	sne.s32 s4, $0x7C00  }
.Ltmp17:
0x1bb: {  	s4 =	sadd.s32 $0x400, s4;
	(pc) =	sbr.rel @p2 .LBB2_30-.Ltmp17, $3  }
0x1bc: {  	_ =	sdelay $0x1  }
0x1bd: {  	s8 =	sshra.s32 s8, $0x2  }
0x1be: {  	s15 =	sadd.s32 s8, s0  }
0x1bf: {  	p2 =	sne.s32 s9, $0x1A  }
.Ltmp18:
0x1c0: {  	_ = 	snop;
	(pc) =	sbr.rel @p2 .LBB2_4-.Ltmp18, $4  }
.Ltmp19:
0x1c1: {  	_ = 	snop;
	(pc) =	sbr.rel @!p2 .LBB2_32-.Ltmp19, $4  }
0x1c2: {  	_ = 	snop  }
0x1c3: {  	[tilespmem:s8], [sflag:$0x4] =	stream.linear.gather [spmem:s15], $0x80, $0x38;
	[tilespmem:$0x1EF00] =	vst v63  }
0x1c4: {  	p1 =	por !p1, !p1;
	s4 =	smov.u32 s9  }
0x1c5: {  	_ = 	snop  }
.LBB2_33:
0x1c6: {  	_ =	sfence.sel $0x180000  }
0x1c7: {  	[bflag:$0x0] =	sbarrier.arrive $0xFFFF  }
0x1c8: {  	_ =	strace $0x90000047  }
0x1c9: {  	[bflag:$0x2] =	sbarrier.arrive $0xFFFF  }
0x1ca: {  	s0 =	rddreg [dreg:$0x4]  }
0x1cb: {  	s0 =	sadd.s32 @!p0 $0x100000, s0  }
0x1cc: {  	[sflag:s0] =	ssyncadd.tile.s32 @!p0 $0x1;
	_ =	shalt  }
.Lfunc_end2:
_tile_overlayer_lowered:
.L_overlay_start_2:
0x1cd: {  	(tag) =	ssettag $0x2  }
0x1ce: {  	s0 =	rddreg [dreg:$0x0];
	s2 =	stileid.u32  }
0x1cf: {  	s1 =	rddreg [dreg:$0x1];
	p0 =	sne.s32 s2, $0x0  }
0x1d0: {  	s3 =	rddreg [dreg:$0x2];
	[bflag:$0x3] =	sbarrier.arrive $0xFFFF;
	s2 =	simm.s32 @!p0 $0x1C05  }
0x1d1: {  	[timem:s3], [sflag:s2] =	dma.local @!p0 [hbm:s0], s1  }
0x1d2: {  	s0 =	simm.s32 @!p0 $0x5  }
0x1d3: {  	_ =	swait.ge @!p0 [sflag:s0], s1  }
0x1d4: {  	s1 =	ssub.s32 @!p0 $0x0, s1;
	[sflag:s0] =	ssyncset.done @!p0 $0x0  }
0x1d5: {  	[sflag:s0] =	ssyncadd.s32 @!p0 s1  }
0x1d6: {  	[bflag:$0x3] =	sbarrier.arrive $0xFFFF  }
0x1d7: {  	_ =	shalt  }

</sc_bundles>
